<compile_context>
chip_gen: v7x
topology: tpu7x:2x2x1
jax: 0.10.2.dev20260603
libtpu: 0.0.44.dev20260713+nightly
codegen_flags: <defaults>
</compile_context>

<pallas_src>
import jax
import jax.numpy as jnp
from jax import lax
from jax.experimental import pallas as pl
from jax.experimental.pallas import tpu as pltpu
from jax.experimental.pallas import tpu_sc as plsc

N = 10000
E = 320000
D_IN = 128
D_HID = 64

NC, NS = 2, 16
NW = NC * NS
EPW = E // NW
CH = 80
NCHUNK = EPW // CH
NCHUNKP = 128
EPWP = NCHUNKP * CH
PADW = EPWP - EPW
NB = 4
ROUNDS = NCHUNKP // NB
NP = 10240
RP = NP // NS

_mesh = plsc.VectorSubcoreMesh(core_axis_name="c", subcore_axis_name="s")


def _proj1_body(x_ref, wl_ref, wr_ref, y1_ref, r1_ref):
    x = x_ref[...]
    dn = (((1,), (1,)), ((), ()))
    y1_ref[...] = lax.dot_general(x, wl_ref[...], dn,
                                  preferred_element_type=jnp.float32)
    r1_ref[...] = lax.dot_general(x, wr_ref[...], dn,
                                  preferred_element_type=jnp.float32)


def _agg1_body(y1_hbm, src_hbm, dst_hbm, z64_hbm, z1_hbm, one_hbm,
               p_hbm, cnt_hbm,
               agg_sh, cnt_sh, src_v, dst_v, rows0_v, rows1_v, ones_v,
               stage_v, cstage_v, gsem0, gsem1, ssem0, ssem1, csem):
    c = lax.axis_index("c")
    s = lax.axis_index("s")
    wid = c * NS + s

    pltpu.sync_copy(z64_hbm, stage_v)
    pltpu.sync_copy(z1_hbm, cstage_v)
    pltpu.sync_copy(stage_v, agg_sh.at[pl.ds(s * RP, RP)])
    pltpu.sync_copy(cstage_v, cnt_sh.at[pl.ds(s * RP, RP)])
    pltpu.sync_copy(one_hbm, ones_v)
    pltpu.sync_copy(src_hbm.at[wid], src_v)
    pltpu.sync_copy(dst_hbm.at[wid], dst_v)
    pltpu.async_copy(y1_hbm.at[src_v.at[0]], rows0_v, gsem0)
    plsc.subcore_barrier()

    def step(i, carry):
        a = 2 * i + 1
        pltpu.async_copy(y1_hbm.at[src_v.at[a]], rows1_v, gsem1)
        pltpu.make_async_copy(y1_hbm.at[src_v.at[0]], rows0_v, gsem0).wait()
        pltpu.async_copy(rows0_v, agg_sh.at[dst_v.at[a - 1]], ssem0, add=True)
        pltpu.async_copy(ones_v, cnt_sh.at[dst_v.at[a - 1]], csem, add=True)
        pltpu.make_async_copy(rows0_v, agg_sh.at[dst_v.at[0]], ssem0).wait()
        pltpu.async_copy(y1_hbm.at[src_v.at[a + 1]], rows0_v, gsem0)
        pltpu.make_async_copy(y1_hbm.at[src_v.at[0]], rows1_v, gsem1).wait()
        pltpu.async_copy(rows1_v, agg_sh.at[dst_v.at[a]], ssem1, add=True)
        pltpu.async_copy(ones_v, cnt_sh.at[dst_v.at[a]], csem, add=True)
        pltpu.make_async_copy(rows1_v, agg_sh.at[dst_v.at[0]], ssem1).wait()
        pltpu.make_async_copy(ones_v, cnt_sh.at[dst_v.at[0]], csem).wait()
        pltpu.make_async_copy(ones_v, cnt_sh.at[dst_v.at[0]], csem).wait()
        return carry

    lax.fori_loop(0, (NCHUNK - 1) // 2, step, 0)
    pltpu.make_async_copy(y1_hbm.at[src_v.at[0]], rows0_v, gsem0).wait()
    pltpu.sync_copy(rows0_v, agg_sh.at[dst_v.at[NCHUNK - 1]], add=True)
    pltpu.sync_copy(ones_v, cnt_sh.at[dst_v.at[NCHUNK - 1]], add=True)
    plsc.subcore_barrier()

    pltpu.sync_copy(agg_sh.at[pl.ds(s * RP, RP)], stage_v)
    pltpu.sync_copy(cnt_sh.at[pl.ds(s * RP, RP)], cstage_v)
    pltpu.sync_copy(stage_v, p_hbm.at[c, pl.ds(s * RP, RP)])
    pltpu.sync_copy(cstage_v, cnt_hbm.at[c, pl.ds(s * RP, RP)])


def _mid_body(p_ref, cnt_ref, r1_ref, b1_ref, w2l_ref, w2r_ref,
              y2_ref, r2_ref):
    cnt = cnt_ref[0, :N] + cnt_ref[1, :N]
    rcp = 1.0 / jnp.maximum(cnt, 1.0)
    agg = p_ref[0, :N] + p_ref[1, :N]
    h = jax.nn.relu(agg * rcp[:, None] + r1_ref[...] + b1_ref[...][None, :])
    pad = jnp.zeros((NP - N,), jnp.float32)
    y2_ref[...] = jnp.concatenate(
        [jnp.sum(h * w2l_ref[...][0][None, :], axis=1), pad])
    r2_ref[...] = jnp.sum(h * w2r_ref[...][0][None, :], axis=1)


def _agg2_body(y2_hbm, src_hbm, dst_hbm, z1_hbm,
               q_hbm,
               q_sh, src_v, dst_v, vals_v, y2l_v, cstage_v,
               s0, s1, s2, s3):
    ssem = (s0, s1, s2, s3)
    c = lax.axis_index("c")
    s = lax.axis_index("s")
    wid = c * NS + s

    pltpu.sync_copy(z1_hbm, cstage_v)
    pltpu.sync_copy(cstage_v, q_sh.at[pl.ds(s * RP, RP)])
    pltpu.sync_copy(y2_hbm, y2l_v)
    pltpu.sync_copy(src_hbm.at[wid], src_v)
    pltpu.sync_copy(dst_hbm.at[wid], dst_v)
    plsc.subcore_barrier()

    def fill_and_scatter(ch, b):
        sv = src_v.at[ch]
        vb = vals_v.at[b]
        for j in range(CH // 16):
            idx = sv[pl.ds(j * 16, 16)]
            vb[pl.ds(j * 16, 16)] = plsc.load_gather(y2l_v, [idx])
        pltpu.async_copy(vb, q_sh.at[dst_v.at[ch]], ssem[b], add=True)

    for b in range(NB):
        fill_and_scatter(b, b)

    def round_(i, carry):
        for b in range(NB):
            ch = i * NB + b
            pltpu.make_async_copy(vals_v.at[b], q_sh.at[dst_v.at[0]],
                                  ssem[b]).wait()
            fill_and_scatter(ch, b)
        return carry

    lax.fori_loop(1, ROUNDS, round_, 0)
    for b in range(NB):
        pltpu.make_async_copy(vals_v.at[b], q_sh.at[dst_v.at[0]],
                              ssem[b]).wait()
    plsc.subcore_barrier()

    pltpu.sync_copy(q_sh.at[pl.ds(s * RP, RP)], cstage_v)
    pltpu.sync_copy(cstage_v, q_hbm.at[c, pl.ds(s * RP, RP)])


def _out_body(q_ref, cnt_ref, r2_ref, b2_ref, out_ref):
    cnt = cnt_ref[0, :N] + cnt_ref[1, :N]
    rcp = 1.0 / jnp.maximum(cnt, 1.0)
    z = (q_ref[0, :N] + q_ref[1, :N]) * rcp + r2_ref[...] + b2_ref[0]
    out_ref[...] = jax.nn.sigmoid(z)[:, None]


@jax.jit
def kernel(x, edge_index, W1l, W1r, b1, W2l, W2r, b2):
    f32 = jnp.float32
    i32 = jnp.int32
    src = edge_index[0].reshape(NW, NCHUNK, CH)
    dst = edge_index[1].reshape(NW, NCHUNK, CH)
    srcp = jnp.concatenate(
        [edge_index[0].reshape(NW, EPW), jnp.zeros((NW, PADW), i32)],
        axis=1).reshape(NW, NCHUNKP, CH)
    pad_dst = jnp.broadcast_to(jnp.arange(N, NP, dtype=i32)[None, :],
                               (NW, PADW))
    dstp = jnp.concatenate(
        [edge_index[1].reshape(NW, EPW), pad_dst],
        axis=1).reshape(NW, NCHUNKP, CH)
    z64 = jnp.zeros((RP, D_HID), f32)
    z1 = jnp.zeros((RP,), f32)
    ones = jnp.ones((CH,), f32)

    y1, r1 = pl.pallas_call(
        _proj1_body,
        out_shape=[jax.ShapeDtypeStruct((N, D_HID), f32),
                   jax.ShapeDtypeStruct((N, D_HID), f32)],
    )(x, W1l, W1r)

    agg1_partial, cnt_partial = pl.kernel(
        _agg1_body,
        out_type=[jax.ShapeDtypeStruct((NC, NP, D_HID), f32),
                  jax.ShapeDtypeStruct((NC, NP), f32)],
        mesh=_mesh,
        compiler_params=pltpu.CompilerParams(use_tc_tiling_on_sc=False),
        scratch_types=[
            pltpu.VMEM_SHARED((NP, D_HID), f32),
            pltpu.VMEM_SHARED((NP,), f32),
            pltpu.VMEM((NCHUNK, CH), i32),
            pltpu.VMEM((NCHUNK, CH), i32),
            pltpu.VMEM((CH, D_HID), f32),
            pltpu.VMEM((CH, D_HID), f32),
            pltpu.VMEM((CH,), f32),
            pltpu.VMEM((RP, D_HID), f32),
            pltpu.VMEM((RP,), f32),
        ] + [pltpu.SemaphoreType.DMA] * 5,
    )(y1, src, dst, z64, z1, ones)

    y2, r2 = pl.pallas_call(
        _mid_body,
        out_shape=[jax.ShapeDtypeStruct((NP,), f32),
                   jax.ShapeDtypeStruct((N,), f32)],
    )(agg1_partial, cnt_partial, r1, b1, W2l, W2r)

    q_partial = pl.kernel(
        _agg2_body,
        out_type=jax.ShapeDtypeStruct((NC, NP), f32),
        mesh=_mesh,
        compiler_params=pltpu.CompilerParams(use_tc_tiling_on_sc=False,
                                             needs_layout_passes=False),
        scratch_types=[
            pltpu.VMEM_SHARED((NP,), f32),
            pltpu.VMEM((NCHUNKP, CH), i32),
            pltpu.VMEM((NCHUNKP, CH), i32),
            pltpu.VMEM((NB, CH), f32),
            pltpu.VMEM((NP,), f32),
            pltpu.VMEM((RP,), f32),
        ] + [pltpu.SemaphoreType.DMA] * 4,
    )(y2, srcp, dstp, z1)

    out = pl.pallas_call(
        _out_body,
        out_shape=jax.ShapeDtypeStruct((N, 1), f32),
    )(q_partial, cnt_partial, r2, b2)

    return out

# --- scband reference (transcript-rebuilt; emitter-appended) ---
"""Pipeline reference for scband-graph-sagefraud-detector-26096221290642 (READ-ONLY COPY).

The authoritative reference and input builder live on the scoring server;
editing this copy changes nothing except your own understanding.
"""

import jax, jax.numpy as jnp
import numpy as np

N_NODES = 10000
N_EDGES = 320000
D_IN = 128
D_HID = 64
D_OUT = 1


def setup_inputs(seed: int = 0) -> dict:
    key = jax.random.key(seed)
    ks = jax.random.split(key, 10)
    x = jax.random.normal(ks[0], (N_NODES, D_IN), dtype=jnp.float32)
    edge_index = jax.random.randint(ks[1], (2, N_EDGES), 0, N_NODES, dtype=jnp.int32)
    s_in = 1.0 / np.sqrt(D_IN)
    s_hid = 1.0 / np.sqrt(D_HID)
    W1l = jax.random.normal(ks[2], (D_HID, D_IN), dtype=jnp.float32) * s_in
    W1r = jax.random.normal(ks[3], (D_HID, D_IN), dtype=jnp.float32) * s_in
    b1 = jnp.zeros((D_HID,), dtype=jnp.float32)
    W2l = jax.random.normal(ks[4], (D_OUT, D_HID), dtype=jnp.float32) * s_hid
    W2r = jax.random.normal(ks[5], (D_OUT, D_HID), dtype=jnp.float32) * s_hid
    b2 = jnp.zeros((D_OUT,), dtype=jnp.float32)
    return {"x": x, "edge_index": edge_index, "W1l": W1l, "W1r": W1r, "b1": b1,
            "W2l": W2l, "W2r": W2r, "b2": b2}


def _sage_conv(x, edge_index, Wl, Wr, b):
    # PyG SAGEConv with mean aggregation:
    # out = lin_l(mean_{j in N(i)} x_j) + lin_r(x_i)
    src = edge_index[0]
    dst = edge_index[1]
    n = x.shape[0]
    msg = jnp.take(x, src, axis=0)                 # gather (SparseCore)
    agg = jax.ops.segment_sum(msg, dst, num_segments=n)  # scatter-add
    cnt = jax.ops.segment_sum(jnp.ones((src.shape[0],), dtype=x.dtype), dst,
                              num_segments=n)
    mean = agg / jnp.maximum(cnt, 1.0)[:, None]
    return mean @ Wl.T + x @ Wr.T + b


def reference(x, edge_index, W1l, W1r, b1, W2l, W2r, b2):
    # layer 1 + relu (dropout is identity at inference)
    h = jax.nn.relu(_sage_conv(x, edge_index, W1l, W1r, b1))
    # final layer
    out = _sage_conv(h, edge_index, W2l, W2r, b2)
    return jax.nn.sigmoid(out)

if __name__ == "__main__":
    import jax
    _d = setup_inputs()
    print(jax.jit(kernel)(*tuple(_d.values())))

</pallas_src>

<mosaic_0001>
#map = affine_map<(d0, d1) -> (0, 0)>
#map1 = affine_map<(d0, d1) -> (0, 0, 0)>
#map2 = affine_map<(d0, d1) -> (0)>
module attributes {stable_mosaic.version = 14 : i64} {
  func.func @_agg1_body(%arg0: i32, %arg1: i32, %arg2: memref<10000x64xf32, #tpu.memory_space<hbm>>, %arg3: memref<32x125x80xi32, #tpu.memory_space<hbm>>, %arg4: memref<32x125x80xi32, #tpu.memory_space<hbm>>, %arg5: memref<640x64xf32, #tpu.memory_space<hbm>>, %arg6: memref<640xf32, #tpu.memory_space<hbm>>, %arg7: memref<80xf32, #tpu.memory_space<hbm>>, %arg8: memref<2x10240x64xf32, #tpu.memory_space<hbm>>, %arg9: memref<2x10240xf32, #tpu.memory_space<hbm>>, %arg10: memref<10240x64xf32, #tpu.memory_space<vmem_shared>>, %arg11: memref<10240xf32, #tpu.memory_space<vmem_shared>>, %arg12: memref<125x80xi32, #tpu.memory_space<vmem>>, %arg13: memref<125x80xi32, #tpu.memory_space<vmem>>, %arg14: memref<80x64xf32, #tpu.memory_space<vmem>>, %arg15: memref<80x64xf32, #tpu.memory_space<vmem>>, %arg16: memref<80xf32, #tpu.memory_space<vmem>>, %arg17: memref<640x64xf32, #tpu.memory_space<vmem>>, %arg18: memref<640xf32, #tpu.memory_space<vmem>>, %arg19: memref<!tpu.dma_semaphore, #tpu.memory_space<semaphore_mem>>, %arg20: memref<!tpu.dma_semaphore, #tpu.memory_space<semaphore_mem>>, %arg21: memref<!tpu.dma_semaphore, #tpu.memory_space<semaphore_mem>>, %arg22: memref<!tpu.dma_semaphore, #tpu.memory_space<semaphore_mem>>, %arg23: memref<!tpu.dma_semaphore, #tpu.memory_space<semaphore_mem>>) attributes {dimension_semantics = [#tpu.dimension_semantics<core_parallel>, #tpu.dimension_semantics<subcore_parallel>], iteration_bounds = array<i64: 2, 16>, scalar_prefetch = 0 : i64, scratch_operands = 14 : i64, tpu.core_type = #tpu.core_type<sc_vector_subcore>, window_params = [{transform_indices = #map}, {transform_indices = #map1}, {transform_indices = #map1}, {transform_indices = #map}, {transform_indices = #map2}, {transform_indices = #map2}, {transform_indices = #map1}, {transform_indices = #map}]} {
    %mul3A = arith.constant 16 : i32
    %mul3A_0 = arith.muli %arg0, %mul3A : i32
    %add3A = arith.addi %mul3A_0, %arg1 : i32
    "tpu.region"() ({
      %run_scoped3A_32 = tpu.sem_alloc : memref<!tpu.dma_semaphore, #tpu.memory_space<semaphore_mem>>
      tpu.enqueue_dma source(%arg5 : memref<640x64xf32, #tpu.memory_space<hbm>>) target(%arg17 : memref<640x64xf32, #tpu.memory_space<vmem>>) target_semaphore(%run_scoped3A_32 : memref<!tpu.dma_semaphore, #tpu.memory_space<semaphore_mem>>)
      tpu.wait_dma2 semaphore(%run_scoped3A_32 : memref<!tpu.dma_semaphore, #tpu.memory_space<semaphore_mem>>) src(%arg5 : memref<640x64xf32, #tpu.memory_space<hbm>>) dst(%arg17 : memref<640x64xf32, #tpu.memory_space<vmem>>)
      tpu.yield
    }) : () -> ()
    "tpu.region"() ({
      %run_scoped3A_32 = tpu.sem_alloc : memref<!tpu.dma_semaphore, #tpu.memory_space<semaphore_mem>>
      tpu.enqueue_dma source(%arg6 : memref<640xf32, #tpu.memory_space<hbm>>) target(%arg18 : memref<640xf32, #tpu.memory_space<vmem>>) target_semaphore(%run_scoped3A_32 : memref<!tpu.dma_semaphore, #tpu.memory_space<semaphore_mem>>)
      tpu.wait_dma2 semaphore(%run_scoped3A_32 : memref<!tpu.dma_semaphore, #tpu.memory_space<semaphore_mem>>) src(%arg6 : memref<640xf32, #tpu.memory_space<hbm>>) dst(%arg18 : memref<640xf32, #tpu.memory_space<vmem>>)
      tpu.yield
    }) : () -> ()
    %mul3A_1 = arith.constant 640 : i32
    %mul3A_2 = arith.muli %arg1, %mul3A_1 : i32
    "tpu.region"() ({
      %run_scoped3A_32 = tpu.sem_alloc : memref<!tpu.dma_semaphore, #tpu.memory_space<semaphore_mem>>
      %dma_start3A_33 = arith.constant 0 : i32
      %dma_start3A_34 = tpu.memref_slice %arg10[%mul3A_2, %dma_start3A_33] : memref<10240x64xf32, #tpu.memory_space<vmem_shared>> -> memref<640x64xf32, #tpu.memory_space<vmem_shared>>
      %dma_start3A_35 = arith.constant 0 : i32
      %dma_start3A_36 = tpu.memref_slice %arg10[%mul3A_2, %dma_start3A_35] : memref<10240x64xf32, #tpu.memory_space<vmem_shared>> -> memref<640x64xf32, #tpu.memory_space<vmem_shared>>
      tpu.enqueue_dma source(%arg17 : memref<640x64xf32, #tpu.memory_space<vmem>>) target(%dma_start3A_36 : memref<640x64xf32, #tpu.memory_space<vmem_shared>>) target_semaphore(%run_scoped3A_32 : memref<!tpu.dma_semaphore, #tpu.memory_space<semaphore_mem>>)
      %dma_wait3A_37 = arith.constant 0 : i32
      %dma_wait3A_38 = tpu.memref_slice %arg10[%mul3A_2, %dma_wait3A_37] : memref<10240x64xf32, #tpu.memory_space<vmem_shared>> -> memref<640x64xf32, #tpu.memory_space<vmem_shared>>
      %dma_wait3A_39 = arith.constant 0 : i32
      %dma_wait3A_40 = tpu.memref_slice %arg10[%mul3A_2, %dma_wait3A_39] : memref<10240x64xf32, #tpu.memory_space<vmem_shared>> -> memref<640x64xf32, #tpu.memory_space<vmem_shared>>
      tpu.wait_dma2 semaphore(%run_scoped3A_32 : memref<!tpu.dma_semaphore, #tpu.memory_space<semaphore_mem>>) src(%arg17 : memref<640x64xf32, #tpu.memory_space<vmem>>) dst(%dma_wait3A_40 : memref<640x64xf32, #tpu.memory_space<vmem_shared>>)
      tpu.yield
    }) : () -> ()
    %mul3A_3 = arith.constant 640 : i32
    %mul3A_4 = arith.muli %arg1, %mul3A_3 : i32
    "tpu.region"() ({
      %run_scoped3A_32 = tpu.sem_alloc : memref<!tpu.dma_semaphore, #tpu.memory_space<semaphore_mem>>
      %dma_start3A_33 = tpu.memref_slice %arg11[%mul3A_4] : memref<10240xf32, #tpu.memory_space<vmem_shared>> -> memref<640xf32, #tpu.memory_space<vmem_shared>>
      %dma_start3A_34 = tpu.memref_slice %arg11[%mul3A_4] : memref<10240xf32, #tpu.memory_space<vmem_shared>> -> memref<640xf32, #tpu.memory_space<vmem_shared>>
      tpu.enqueue_dma source(%arg18 : memref<640xf32, #tpu.memory_space<vmem>>) target(%dma_start3A_34 : memref<640xf32, #tpu.memory_space<vmem_shared>>) target_semaphore(%run_scoped3A_32 : memref<!tpu.dma_semaphore, #tpu.memory_space<semaphore_mem>>)
      %dma_wait3A_35 = tpu.memref_slice %arg11[%mul3A_4] : memref<10240xf32, #tpu.memory_space<vmem_shared>> -> memref<640xf32, #tpu.memory_space<vmem_shared>>
      %dma_wait3A_36 = tpu.memref_slice %arg11[%mul3A_4] : memref<10240xf32, #tpu.memory_space<vmem_shared>> -> memref<640xf32, #tpu.memory_space<vmem_shared>>
      tpu.wait_dma2 semaphore(%run_scoped3A_32 : memref<!tpu.dma_semaphore, #tpu.memory_space<semaphore_mem>>) src(%arg18 : memref<640xf32, #tpu.memory_space<vmem>>) dst(%dma_wait3A_36 : memref<640xf32, #tpu.memory_space<vmem_shared>>)
      tpu.yield
    }) : () -> ()
    "tpu.region"() ({
      %run_scoped3A_32 = tpu.sem_alloc : memref<!tpu.dma_semaphore, #tpu.memory_space<semaphore_mem>>
      tpu.enqueue_dma source(%arg7 : memref<80xf32, #tpu.memory_space<hbm>>) target(%arg16 : memref<80xf32, #tpu.memory_space<vmem>>) target_semaphore(%run_scoped3A_32 : memref<!tpu.dma_semaphore, #tpu.memory_space<semaphore_mem>>)
      tpu.wait_dma2 semaphore(%run_scoped3A_32 : memref<!tpu.dma_semaphore, #tpu.memory_space<semaphore_mem>>) src(%arg7 : memref<80xf32, #tpu.memory_space<hbm>>) dst(%arg16 : memref<80xf32, #tpu.memory_space<vmem>>)
      tpu.yield
    }) : () -> ()
    "tpu.region"() ({
      %run_scoped3A_32 = tpu.sem_alloc : memref<!tpu.dma_semaphore, #tpu.memory_space<semaphore_mem>>
      %dma_start3A_33 = arith.constant 0 : i32
      %dma_start3A_34 = arith.constant 0 : i32
      %dma_start3A_35 = tpu.memref_slice %arg3[%add3A, %dma_start3A_33, %dma_start3A_34] : memref<32x125x80xi32, #tpu.memory_space<hbm>> -> memref<1x125x80xi32, #tpu.memory_space<hbm>>
      %dma_start3A_36 = tpu.memref_squeeze %dma_start3A_35 : memref<1x125x80xi32, #tpu.memory_space<hbm>> -> memref<125x80xi32, #tpu.memory_space<hbm>>
      %dma_start3A_37 = arith.constant 0 : i32
      %dma_start3A_38 = arith.constant 0 : i32
      %dma_start3A_39 = tpu.memref_slice %arg3[%add3A, %dma_start3A_37, %dma_start3A_38] : memref<32x125x80xi32, #tpu.memory_space<hbm>> -> memref<1x125x80xi32, #tpu.memory_space<hbm>>
      %dma_start3A_40 = tpu.memref_squeeze %dma_start3A_39 : memref<1x125x80xi32, #tpu.memory_space<hbm>> -> memref<125x80xi32, #tpu.memory_space<hbm>>
      tpu.enqueue_dma source(%dma_start3A_40 : memref<125x80xi32, #tpu.memory_space<hbm>>) target(%arg12 : memref<125x80xi32, #tpu.memory_space<vmem>>) target_semaphore(%run_scoped3A_32 : memref<!tpu.dma_semaphore, #tpu.memory_space<semaphore_mem>>)
      %dma_wait3A_41 = arith.constant 0 : i32
      %dma_wait3A_42 = arith.constant 0 : i32
      %dma_wait3A_43 = tpu.memref_slice %arg3[%add3A, %dma_wait3A_41, %dma_wait3A_42] : memref<32x125x80xi32, #tpu.memory_space<hbm>> -> memref<1x125x80xi32, #tpu.memory_space<hbm>>
      %dma_wait3A_44 = tpu.memref_squeeze %dma_wait3A_43 : memref<1x125x80xi32, #tpu.memory_space<hbm>> -> memref<125x80xi32, #tpu.memory_space<hbm>>
      %dma_wait3A_45 = arith.constant 0 : i32
      %dma_wait3A_46 = arith.constant 0 : i32
      %dma_wait3A_47 = tpu.memref_slice %arg3[%add3A, %dma_wait3A_45, %dma_wait3A_46] : memref<32x125x80xi32, #tpu.memory_space<hbm>> -> memref<1x125x80xi32, #tpu.memory_space<hbm>>
      %dma_wait3A_48 = tpu.memref_squeeze %dma_wait3A_47 : memref<1x125x80xi32, #tpu.memory_space<hbm>> -> memref<125x80xi32, #tpu.memory_space<hbm>>
      tpu.wait_dma2 semaphore(%run_scoped3A_32 : memref<!tpu.dma_semaphore, #tpu.memory_space<semaphore_mem>>) src(%dma_wait3A_48 : memref<125x80xi32, #tpu.memory_space<hbm>>) dst(%arg12 : memref<125x80xi32, #tpu.memory_space<vmem>>)
      tpu.yield
    }) : () -> ()
    "tpu.region"() ({
      %run_scoped3A_32 = tpu.sem_alloc : memref<!tpu.dma_semaphore, #tpu.memory_space<semaphore_mem>>
      %dma_start3A_33 = arith.constant 0 : i32
      %dma_start3A_34 = arith.constant 0 : i32
      %dma_start3A_35 = tpu.memref_slice %arg4[%add3A, %dma_start3A_33, %dma_start3A_34] : memref<32x125x80xi32, #tpu.memory_space<hbm>> -> memref<1x125x80xi32, #tpu.memory_space<hbm>>
      %dma_start3A_36 = tpu.memref_squeeze %dma_start3A_35 : memref<1x125x80xi32, #tpu.memory_space<hbm>> -> memref<125x80xi32, #tpu.memory_space<hbm>>
      %dma_start3A_37 = arith.constant 0 : i32
      %dma_start3A_38 = arith.constant 0 : i32
      %dma_start3A_39 = tpu.memref_slice %arg4[%add3A, %dma_start3A_37, %dma_start3A_38] : memref<32x125x80xi32, #tpu.memory_space<hbm>> -> memref<1x125x80xi32, #tpu.memory_space<hbm>>
      %dma_start3A_40 = tpu.memref_squeeze %dma_start3A_39 : memref<1x125x80xi32, #tpu.memory_space<hbm>> -> memref<125x80xi32, #tpu.memory_space<hbm>>
      tpu.enqueue_dma source(%dma_start3A_40 : memref<125x80xi32, #tpu.memory_space<hbm>>) target(%arg13 : memref<125x80xi32, #tpu.memory_space<vmem>>) target_semaphore(%run_scoped3A_32 : memref<!tpu.dma_semaphore, #tpu.memory_space<semaphore_mem>>)
      %dma_wait3A_41 = arith.constant 0 : i32
      %dma_wait3A_42 = arith.constant 0 : i32
      %dma_wait3A_43 = tpu.memref_slice %arg4[%add3A, %dma_wait3A_41, %dma_wait3A_42] : memref<32x125x80xi32, #tpu.memory_space<hbm>> -> memref<1x125x80xi32, #tpu.memory_space<hbm>>
      %dma_wait3A_44 = tpu.memref_squeeze %dma_wait3A_43 : memref<1x125x80xi32, #tpu.memory_space<hbm>> -> memref<125x80xi32, #tpu.memory_space<hbm>>
      %dma_wait3A_45 = arith.constant 0 : i32
      %dma_wait3A_46 = arith.constant 0 : i32
      %dma_wait3A_47 = tpu.memref_slice %arg4[%add3A, %dma_wait3A_45, %dma_wait3A_46] : memref<32x125x80xi32, #tpu.memory_space<hbm>> -> memref<1x125x80xi32, #tpu.memory_space<hbm>>
      %dma_wait3A_48 = tpu.memref_squeeze %dma_wait3A_47 : memref<1x125x80xi32, #tpu.memory_space<hbm>> -> memref<125x80xi32, #tpu.memory_space<hbm>>
      tpu.wait_dma2 semaphore(%run_scoped3A_32 : memref<!tpu.dma_semaphore, #tpu.memory_space<semaphore_mem>>) src(%dma_wait3A_48 : memref<125x80xi32, #tpu.memory_space<hbm>>) dst(%arg13 : memref<125x80xi32, #tpu.memory_space<vmem>>)
      tpu.yield
    }) : () -> ()
    %dma_start3A = arith.constant 0 : i32
    %dma_start3A_5 = arith.constant 0 : i32
    %dma_start3A_6 = tpu.memref_slice %arg12[%dma_start3A, %dma_start3A_5] : memref<125x80xi32, #tpu.memory_space<vmem>> -> memref<1x80xi32, #tpu.memory_space<vmem>>
    %dma_start3A_7 = tpu.memref_squeeze %dma_start3A_6 : memref<1x80xi32, #tpu.memory_space<vmem>> -> memref<80xi32, #tpu.memory_space<vmem>>
    %dma_start3A_8 = arith.constant 0 : i32
    %dma_start3A_9 = arith.constant 0 : i32
    %dma_start3A_10 = tpu.memref_slice %arg2[%dma_start3A_8, %dma_start3A_9] : memref<10000x64xf32, #tpu.memory_space<hbm>> -> memref<10000x64xf32, #tpu.memory_space<hbm>>
    tpu.enqueue_indirect_dma source(%dma_start3A_10 : memref<10000x64xf32, #tpu.memory_space<hbm>>) target(%arg14 : memref<80x64xf32, #tpu.memory_space<vmem>>) offsets(%dma_start3A_7 : memref<80xi32, #tpu.memory_space<vmem>>) semaphore(%arg19 : memref<!tpu.dma_semaphore, #tpu.memory_space<semaphore_mem>>)
    %barrier3A = arith.constant 0 : index
    tpu.barrier barrier_id(%barrier3A)
    %scan3A = arith.constant 0 : i32
    %scan3A_11 = arith.constant 0 : i32
    %scan3A_12 = arith.constant 62 : i32
    %scan3A_13 = arith.addi %scan3A_11, %scan3A_12 : i32
    %scan3A_14 = arith.constant 1 : i32
    scf.for %scan3A_32 = %scan3A_11 to %scan3A_13 step %scan3A_14  : i32 {
      %mul3A_33 = arith.constant 2 : i32
      %mul3A_34 = arith.muli %mul3A_33, %scan3A_32 : i32
      %add3A_35 = arith.constant 1 : i32
      %add3A_36 = arith.addi %mul3A_34, %add3A_35 : i32
      %dma_start3A_37 = arith.constant 0 : i32
      %dma_start3A_38 = tpu.memref_slice %arg12[%add3A_36, %dma_start3A_37] : memref<125x80xi32, #tpu.memory_space<vmem>> -> memref<1x80xi32, #tpu.memory_space<vmem>>
      %dma_start3A_39 = tpu.memref_squeeze %dma_start3A_38 : memref<1x80xi32, #tpu.memory_space<vmem>> -> memref<80xi32, #tpu.memory_space<vmem>>
      %dma_start3A_40 = arith.constant 0 : i32
      %dma_start3A_41 = arith.constant 0 : i32
      %dma_start3A_42 = tpu.memref_slice %arg2[%dma_start3A_40, %dma_start3A_41] : memref<10000x64xf32, #tpu.memory_space<hbm>> -> memref<10000x64xf32, #tpu.memory_space<hbm>>
      tpu.enqueue_indirect_dma source(%dma_start3A_42 : memref<10000x64xf32, #tpu.memory_space<hbm>>) target(%arg15 : memref<80x64xf32, #tpu.memory_space<vmem>>) offsets(%dma_start3A_39 : memref<80xi32, #tpu.memory_space<vmem>>) semaphore(%arg20 : memref<!tpu.dma_semaphore, #tpu.memory_space<semaphore_mem>>)
      %dma_wait3A_43 = arith.constant 0 : i32
      %dma_wait3A_44 = arith.constant 0 : i32
      %dma_wait3A_45 = tpu.memref_slice %arg12[%dma_wait3A_43, %dma_wait3A_44] : memref<125x80xi32, #tpu.memory_space<vmem>> -> memref<1x80xi32, #tpu.memory_space<vmem>>
      %dma_wait3A_46 = tpu.memref_squeeze %dma_wait3A_45 : memref<1x80xi32, #tpu.memory_space<vmem>> -> memref<80xi32, #tpu.memory_space<vmem>>
      %dma_wait3A_47 = arith.constant 0 : i32
      %dma_wait3A_48 = arith.constant 0 : i32
      %dma_wait3A_49 = tpu.memref_slice %arg2[%dma_wait3A_47, %dma_wait3A_48] : memref<10000x64xf32, #tpu.memory_space<hbm>> -> memref<10000x64xf32, #tpu.memory_space<hbm>>
      tpu.wait_indirect_dma semaphore(%arg19 : memref<!tpu.dma_semaphore, #tpu.memory_space<semaphore_mem>>) src(%dma_wait3A_49 : memref<10000x64xf32, #tpu.memory_space<hbm>>) dst(%arg14 : memref<80x64xf32, #tpu.memory_space<vmem>>)
      %sub3A = arith.constant 1 : i32
      %sub3A_50 = arith.subi %add3A_36, %sub3A : i32
      %dma_start3A_51 = arith.constant 0 : i32
      %dma_start3A_52 = tpu.memref_slice %arg13[%sub3A_50, %dma_start3A_51] : memref<125x80xi32, #tpu.memory_space<vmem>> -> memref<1x80xi32, #tpu.memory_space<vmem>>
      %dma_start3A_53 = tpu.memref_squeeze %dma_start3A_52 : memref<1x80xi32, #tpu.memory_space<vmem>> -> memref<80xi32, #tpu.memory_space<vmem>>
      %dma_start3A_54 = arith.constant 0 : i32
      %dma_start3A_55 = arith.constant 0 : i32
      %dma_start3A_56 = tpu.memref_slice %arg10[%dma_start3A_54, %dma_start3A_55] : memref<10240x64xf32, #tpu.memory_space<vmem_shared>> -> memref<10240x64xf32, #tpu.memory_space<vmem_shared>>
      tpu.enqueue_indirect_dma source(%arg14 : memref<80x64xf32, #tpu.memory_space<vmem>>) target(%dma_start3A_56 : memref<10240x64xf32, #tpu.memory_space<vmem_shared>>) offsets(%dma_start3A_53 : memref<80xi32, #tpu.memory_space<vmem>>) semaphore(%arg21 : memref<!tpu.dma_semaphore, #tpu.memory_space<semaphore_mem>>) {add = true}
      %sub3A_57 = arith.constant 1 : i32
      %sub3A_58 = arith.subi %add3A_36, %sub3A_57 : i32
      %dma_start3A_59 = arith.constant 0 : i32
      %dma_start3A_60 = tpu.memref_slice %arg13[%sub3A_58, %dma_start3A_59] : memref<125x80xi32, #tpu.memory_space<vmem>> -> memref<1x80xi32, #tpu.memory_space<vmem>>
      %dma_start3A_61 = tpu.memref_squeeze %dma_start3A_60 : memref<1x80xi32, #tpu.memory_space<vmem>> -> memref<80xi32, #tpu.memory_space<vmem>>
      %dma_start3A_62 = arith.constant 0 : i32
      %dma_start3A_63 = tpu.memref_slice %arg11[%dma_start3A_62] : memref<10240xf32, #tpu.memory_space<vmem_shared>> -> memref<10240xf32, #tpu.memory_space<vmem_shared>>
      tpu.enqueue_indirect_dma source(%arg16 : memref<80xf32, #tpu.memory_space<vmem>>) target(%dma_start3A_63 : memref<10240xf32, #tpu.memory_space<vmem_shared>>) offsets(%dma_start3A_61 : memref<80xi32, #tpu.memory_space<vmem>>) semaphore(%arg23 : memref<!tpu.dma_semaphore, #tpu.memory_space<semaphore_mem>>) {add = true}
      %dma_wait3A_64 = arith.constant 0 : i32
      %dma_wait3A_65 = arith.constant 0 : i32
      %dma_wait3A_66 = tpu.memref_slice %arg13[%dma_wait3A_64, %dma_wait3A_65] : memref<125x80xi32, #tpu.memory_space<vmem>> -> memref<1x80xi32, #tpu.memory_space<vmem>>
      %dma_wait3A_67 = tpu.memref_squeeze %dma_wait3A_66 : memref<1x80xi32, #tpu.memory_space<vmem>> -> memref<80xi32, #tpu.memory_space<vmem>>
      %dma_wait3A_68 = arith.constant 0 : i32
      %dma_wait3A_69 = arith.constant 0 : i32
      %dma_wait3A_70 = tpu.memref_slice %arg10[%dma_wait3A_68, %dma_wait3A_69] : memref<10240x64xf32, #tpu.memory_space<vmem_shared>> -> memref<10240x64xf32, #tpu.memory_space<vmem_shared>>
      tpu.wait_indirect_dma semaphore(%arg21 : memref<!tpu.dma_semaphore, #tpu.memory_space<semaphore_mem>>) src(%arg14 : memref<80x64xf32, #tpu.memory_space<vmem>>) dst(%dma_wait3A_70 : memref<10240x64xf32, #tpu.memory_space<vmem_shared>>)
      %add3A_71 = arith.constant 1 : i32
      %add3A_72 = arith.addi %add3A_36, %add3A_71 : i32
      %dma_start3A_73 = arith.constant 0 : i32
      %dma_start3A_74 = tpu.memref_slice %arg12[%add3A_72, %dma_start3A_73] : memref<125x80xi32, #tpu.memory_space<vmem>> -> memref<1x80xi32, #tpu.memory_space<vmem>>
      %dma_start3A_75 = tpu.memref_squeeze %dma_start3A_74 : memref<1x80xi32, #tpu.memory_space<vmem>> -> memref<80xi32, #tpu.memory_space<vmem>>
      %dma_start3A_76 = arith.constant 0 : i32
      %dma_start3A_77 = arith.constant 0 : i32
      %dma_start3A_78 = tpu.memref_slice %arg2[%dma_start3A_76, %dma_start3A_77] : memref<10000x64xf32, #tpu.memory_space<hbm>> -> memref<10000x64xf32, #tpu.memory_space<hbm>>
      tpu.enqueue_indirect_dma source(%dma_start3A_78 : memref<10000x64xf32, #tpu.memory_space<hbm>>) target(%arg14 : memref<80x64xf32, #tpu.memory_space<vmem>>) offsets(%dma_start3A_75 : memref<80xi32, #tpu.memory_space<vmem>>) semaphore(%arg19 : memref<!tpu.dma_semaphore, #tpu.memory_space<semaphore_mem>>)
      %dma_wait3A_79 = arith.constant 0 : i32
      %dma_wait3A_80 = arith.constant 0 : i32
      %dma_wait3A_81 = tpu.memref_slice %arg12[%dma_wait3A_79, %dma_wait3A_80] : memref<125x80xi32, #tpu.memory_space<vmem>> -> memref<1x80xi32, #tpu.memory_space<vmem>>
      %dma_wait3A_82 = tpu.memref_squeeze %dma_wait3A_81 : memref<1x80xi32, #tpu.memory_space<vmem>> -> memref<80xi32, #tpu.memory_space<vmem>>
      %dma_wait3A_83 = arith.constant 0 : i32
      %dma_wait3A_84 = arith.constant 0 : i32
      %dma_wait3A_85 = tpu.memref_slice %arg2[%dma_wait3A_83, %dma_wait3A_84] : memref<10000x64xf32, #tpu.memory_space<hbm>> -> memref<10000x64xf32, #tpu.memory_space<hbm>>
      tpu.wait_indirect_dma semaphore(%arg20 : memref<!tpu.dma_semaphore, #tpu.memory_space<semaphore_mem>>) src(%dma_wait3A_85 : memref<10000x64xf32, #tpu.memory_space<hbm>>) dst(%arg15 : memref<80x64xf32, #tpu.memory_space<vmem>>)
      %dma_start3A_86 = arith.constant 0 : i32
      %dma_start3A_87 = tpu.memref_slice %arg13[%add3A_36, %dma_start3A_86] : memref<125x80xi32, #tpu.memory_space<vmem>> -> memref<1x80xi32, #tpu.memory_space<vmem>>
      %dma_start3A_88 = tpu.memref_squeeze %dma_start3A_87 : memref<1x80xi32, #tpu.memory_space<vmem>> -> memref<80xi32, #tpu.memory_space<vmem>>
      %dma_start3A_89 = arith.constant 0 : i32
      %dma_start3A_90 = arith.constant 0 : i32
      %dma_start3A_91 = tpu.memref_slice %arg10[%dma_start3A_89, %dma_start3A_90] : memref<10240x64xf32, #tpu.memory_space<vmem_shared>> -> memref<10240x64xf32, #tpu.memory_space<vmem_shared>>
      tpu.enqueue_indirect_dma source(%arg15 : memref<80x64xf32, #tpu.memory_space<vmem>>) target(%dma_start3A_91 : memref<10240x64xf32, #tpu.memory_space<vmem_shared>>) offsets(%dma_start3A_88 : memref<80xi32, #tpu.memory_space<vmem>>) semaphore(%arg22 : memref<!tpu.dma_semaphore, #tpu.memory_space<semaphore_mem>>) {add = true}
      %dma_start3A_92 = arith.constant 0 : i32
      %dma_start3A_93 = tpu.memref_slice %arg13[%add3A_36, %dma_start3A_92] : memref<125x80xi32, #tpu.memory_space<vmem>> -> memref<1x80xi32, #tpu.memory_space<vmem>>
      %dma_start3A_94 = tpu.memref_squeeze %dma_start3A_93 : memref<1x80xi32, #tpu.memory_space<vmem>> -> memref<80xi32, #tpu.memory_space<vmem>>
      %dma_start3A_95 = arith.constant 0 : i32
      %dma_start3A_96 = tpu.memref_slice %arg11[%dma_start3A_95] : memref<10240xf32, #tpu.memory_space<vmem_shared>> -> memref<10240xf32, #tpu.memory_space<vmem_shared>>
      tpu.enqueue_indirect_dma source(%arg16 : memref<80xf32, #tpu.memory_space<vmem>>) target(%dma_start3A_96 : memref<10240xf32, #tpu.memory_space<vmem_shared>>) offsets(%dma_start3A_94 : memref<80xi32, #tpu.memory_space<vmem>>) semaphore(%arg23 : memref<!tpu.dma_semaphore, #tpu.memory_space<semaphore_mem>>) {add = true}
      %dma_wait3A_97 = arith.constant 0 : i32
      %dma_wait3A_98 = arith.constant 0 : i32
      %dma_wait3A_99 = tpu.memref_slice %arg13[%dma_wait3A_97, %dma_wait3A_98] : memref<125x80xi32, #tpu.memory_space<vmem>> -> memref<1x80xi32, #tpu.memory_space<vmem>>
      %dma_wait3A_100 = tpu.memref_squeeze %dma_wait3A_99 : memref<1x80xi32, #tpu.memory_space<vmem>> -> memref<80xi32, #tpu.memory_space<vmem>>
      %dma_wait3A_101 = arith.constant 0 : i32
      %dma_wait3A_102 = arith.constant 0 : i32
      %dma_wait3A_103 = tpu.memref_slice %arg10[%dma_wait3A_101, %dma_wait3A_102] : memref<10240x64xf32, #tpu.memory_space<vmem_shared>> -> memref<10240x64xf32, #tpu.memory_space<vmem_shared>>
      tpu.wait_indirect_dma semaphore(%arg22 : memref<!tpu.dma_semaphore, #tpu.memory_space<semaphore_mem>>) src(%arg15 : memref<80x64xf32, #tpu.memory_space<vmem>>) dst(%dma_wait3A_103 : memref<10240x64xf32, #tpu.memory_space<vmem_shared>>)
      %dma_wait3A_104 = arith.constant 0 : i32
      %dma_wait3A_105 = arith.constant 0 : i32
      %dma_wait3A_106 = tpu.memref_slice %arg13[%dma_wait3A_104, %dma_wait3A_105] : memref<125x80xi32, #tpu.memory_space<vmem>> -> memref<1x80xi32, #tpu.memory_space<vmem>>
      %dma_wait3A_107 = tpu.memref_squeeze %dma_wait3A_106 : memref<1x80xi32, #tpu.memory_space<vmem>> -> memref<80xi32, #tpu.memory_space<vmem>>
      %dma_wait3A_108 = arith.constant 0 : i32
      %dma_wait3A_109 = tpu.memref_slice %arg11[%dma_wait3A_108] : memref<10240xf32, #tpu.memory_space<vmem_shared>> -> memref<10240xf32, #tpu.memory_space<vmem_shared>>
      tpu.wait_indirect_dma semaphore(%arg23 : memref<!tpu.dma_semaphore, #tpu.memory_space<semaphore_mem>>) src(%arg16 : memref<80xf32, #tpu.memory_space<vmem>>) dst(%dma_wait3A_109 : memref<10240xf32, #tpu.memory_space<vmem_shared>>)
      %dma_wait3A_110 = arith.constant 0 : i32
      %dma_wait3A_111 = arith.constant 0 : i32
      %dma_wait3A_112 = tpu.memref_slice %arg13[%dma_wait3A_110, %dma_wait3A_111] : memref<125x80xi32, #tpu.memory_space<vmem>> -> memref<1x80xi32, #tpu.memory_space<vmem>>
      %dma_wait3A_113 = tpu.memref_squeeze %dma_wait3A_112 : memref<1x80xi32, #tpu.memory_space<vmem>> -> memref<80xi32, #tpu.memory_space<vmem>>
      %dma_wait3A_114 = arith.constant 0 : i32
      %dma_wait3A_115 = tpu.memref_slice %arg11[%dma_wait3A_114] : memref<10240xf32, #tpu.memory_space<vmem_shared>> -> memref<10240xf32, #tpu.memory_space<vmem_shared>>
      tpu.wait_indirect_dma semaphore(%arg23 : memref<!tpu.dma_semaphore, #tpu.memory_space<semaphore_mem>>) src(%arg16 : memref<80xf32, #tpu.memory_space<vmem>>) dst(%dma_wait3A_115 : memref<10240xf32, #tpu.memory_space<vmem_shared>>)
    }
    %scan3A_15 = arith.constant 62 : i32
    %dma_wait3A = arith.constant 0 : i32
    %dma_wait3A_16 = arith.constant 0 : i32
    %dma_wait3A_17 = tpu.memref_slice %arg12[%dma_wait3A, %dma_wait3A_16] : memref<125x80xi32, #tpu.memory_space<vmem>> -> memref<1x80xi32, #tpu.memory_space<vmem>>
    %dma_wait3A_18 = tpu.memref_squeeze %dma_wait3A_17 : memref<1x80xi32, #tpu.memory_space<vmem>> -> memref<80xi32, #tpu.memory_space<vmem>>
    %dma_wait3A_19 = arith.constant 0 : i32
    %dma_wait3A_20 = arith.constant 0 : i32
    %dma_wait3A_21 = tpu.memref_slice %arg2[%dma_wait3A_19, %dma_wait3A_20] : memref<10000x64xf32, #tpu.memory_space<hbm>> -> memref<10000x64xf32, #tpu.memory_space<hbm>>
    tpu.wait_indirect_dma semaphore(%arg19 : memref<!tpu.dma_semaphore, #tpu.memory_space<semaphore_mem>>) src(%dma_wait3A_21 : memref<10000x64xf32, #tpu.memory_space<hbm>>) dst(%arg14 : memref<80x64xf32, #tpu.memory_space<vmem>>)
    %run_scoped3A = arith.constant 124 : i32
    "tpu.region"() ({
      %run_scoped3A_32 = tpu.sem_alloc : memref<!tpu.dma_semaphore, #tpu.memory_space<semaphore_mem>>
      %dma_start3A_33 = arith.constant 0 : i32
      %dma_start3A_34 = tpu.memref_slice %arg13[%run_scoped3A, %dma_start3A_33] : memref<125x80xi32, #tpu.memory_space<vmem>> -> memref<1x80xi32, #tpu.memory_space<vmem>>
      %dma_start3A_35 = tpu.memref_squeeze %dma_start3A_34 : memref<1x80xi32, #tpu.memory_space<vmem>> -> memref<80xi32, #tpu.memory_space<vmem>>
      %dma_start3A_36 = arith.constant 0 : i32
      %dma_start3A_37 = arith.constant 0 : i32
      %dma_start3A_38 = tpu.memref_slice %arg10[%dma_start3A_36, %dma_start3A_37] : memref<10240x64xf32, #tpu.memory_space<vmem_shared>> -> memref<10240x64xf32, #tpu.memory_space<vmem_shared>>
      tpu.enqueue_indirect_dma source(%arg14 : memref<80x64xf32, #tpu.memory_space<vmem>>) target(%dma_start3A_38 : memref<10240x64xf32, #tpu.memory_space<vmem_shared>>) offsets(%dma_start3A_35 : memref<80xi32, #tpu.memory_space<vmem>>) semaphore(%run_scoped3A_32 : memref<!tpu.dma_semaphore, #tpu.memory_space<semaphore_mem>>) {add = true}
      %dma_wait3A_39 = arith.constant 0 : i32
      %dma_wait3A_40 = tpu.memref_slice %arg13[%run_scoped3A, %dma_wait3A_39] : memref<125x80xi32, #tpu.memory_space<vmem>> -> memref<1x80xi32, #tpu.memory_space<vmem>>
      %dma_wait3A_41 = tpu.memref_squeeze %dma_wait3A_40 : memref<1x80xi32, #tpu.memory_space<vmem>> -> memref<80xi32, #tpu.memory_space<vmem>>
      %dma_wait3A_42 = arith.constant 0 : i32
      %dma_wait3A_43 = arith.constant 0 : i32
      %dma_wait3A_44 = tpu.memref_slice %arg10[%dma_wait3A_42, %dma_wait3A_43] : memref<10240x64xf32, #tpu.memory_space<vmem_shared>> -> memref<10240x64xf32, #tpu.memory_space<vmem_shared>>
      tpu.wait_indirect_dma semaphore(%run_scoped3A_32 : memref<!tpu.dma_semaphore, #tpu.memory_space<semaphore_mem>>) src(%arg14 : memref<80x64xf32, #tpu.memory_space<vmem>>) dst(%dma_wait3A_44 : memref<10240x64xf32, #tpu.memory_space<vmem_shared>>)
      tpu.yield
    }) : () -> ()
    %run_scoped3A_22 = arith.constant 124 : i32
    "tpu.region"() ({
      %run_scoped3A_32 = tpu.sem_alloc : memref<!tpu.dma_semaphore, #tpu.memory_space<semaphore_mem>>
      %dma_start3A_33 = arith.constant 0 : i32
      %dma_start3A_34 = tpu.memref_slice %arg13[%run_scoped3A_22, %dma_start3A_33] : memref<125x80xi32, #tpu.memory_space<vmem>> -> memref<1x80xi32, #tpu.memory_space<vmem>>
      %dma_start3A_35 = tpu.memref_squeeze %dma_start3A_34 : memref<1x80xi32, #tpu.memory_space<vmem>> -> memref<80xi32, #tpu.memory_space<vmem>>
      %dma_start3A_36 = arith.constant 0 : i32
      %dma_start3A_37 = tpu.memref_slice %arg11[%dma_start3A_36] : memref<10240xf32, #tpu.memory_space<vmem_shared>> -> memref<10240xf32, #tpu.memory_space<vmem_shared>>
      tpu.enqueue_indirect_dma source(%arg16 : memref<80xf32, #tpu.memory_space<vmem>>) target(%dma_start3A_37 : memref<10240xf32, #tpu.memory_space<vmem_shared>>) offsets(%dma_start3A_35 : memref<80xi32, #tpu.memory_space<vmem>>) semaphore(%run_scoped3A_32 : memref<!tpu.dma_semaphore, #tpu.memory_space<semaphore_mem>>) {add = true}
      %dma_wait3A_38 = arith.constant 0 : i32
      %dma_wait3A_39 = tpu.memref_slice %arg13[%run_scoped3A_22, %dma_wait3A_38] : memref<125x80xi32, #tpu.memory_space<vmem>> -> memref<1x80xi32, #tpu.memory_space<vmem>>
      %dma_wait3A_40 = tpu.memref_squeeze %dma_wait3A_39 : memref<1x80xi32, #tpu.memory_space<vmem>> -> memref<80xi32, #tpu.memory_space<vmem>>
      %dma_wait3A_41 = arith.constant 0 : i32
      %dma_wait3A_42 = tpu.memref_slice %arg11[%dma_wait3A_41] : memref<10240xf32, #tpu.memory_space<vmem_shared>> -> memref<10240xf32, #tpu.memory_space<vmem_shared>>
      tpu.wait_indirect_dma semaphore(%run_scoped3A_32 : memref<!tpu.dma_semaphore, #tpu.memory_space<semaphore_mem>>) src(%arg16 : memref<80xf32, #tpu.memory_space<vmem>>) dst(%dma_wait3A_42 : memref<10240xf32, #tpu.memory_space<vmem_shared>>)
      tpu.yield
    }) : () -> ()
    %barrier3A_23 = arith.constant 0 : index
    tpu.barrier barrier_id(%barrier3A_23)
    %mul3A_24 = arith.constant 640 : i32
    %mul3A_25 = arith.muli %arg1, %mul3A_24 : i32
    "tpu.region"() ({
      %run_scoped3A_32 = tpu.sem_alloc : memref<!tpu.dma_semaphore, #tpu.memory_space<semaphore_mem>>
      %dma_start3A_33 = arith.constant 0 : i32
      %dma_start3A_34 = tpu.memref_slice %arg10[%mul3A_25, %dma_start3A_33] : memref<10240x64xf32, #tpu.memory_space<vmem_shared>> -> memref<640x64xf32, #tpu.memory_space<vmem_shared>>
      %dma_start3A_35 = arith.constant 0 : i32
      %dma_start3A_36 = tpu.memref_slice %arg10[%mul3A_25, %dma_start3A_35] : memref<10240x64xf32, #tpu.memory_space<vmem_shared>> -> memref<640x64xf32, #tpu.memory_space<vmem_shared>>
      tpu.enqueue_dma source(%dma_start3A_36 : memref<640x64xf32, #tpu.memory_space<vmem_shared>>) target(%arg17 : memref<640x64xf32, #tpu.memory_space<vmem>>) target_semaphore(%run_scoped3A_32 : memref<!tpu.dma_semaphore, #tpu.memory_space<semaphore_mem>>)
      %dma_wait3A_37 = arith.constant 0 : i32
      %dma_wait3A_38 = tpu.memref_slice %arg10[%mul3A_25, %dma_wait3A_37] : memref<10240x64xf32, #tpu.memory_space<vmem_shared>> -> memref<640x64xf32, #tpu.memory_space<vmem_shared>>
      %dma_wait3A_39 = arith.constant 0 : i32
      %dma_wait3A_40 = tpu.memref_slice %arg10[%mul3A_25, %dma_wait3A_39] : memref<10240x64xf32, #tpu.memory_space<vmem_shared>> -> memref<640x64xf32, #tpu.memory_space<vmem_shared>>
      tpu.wait_dma2 semaphore(%run_scoped3A_32 : memref<!tpu.dma_semaphore, #tpu.memory_space<semaphore_mem>>) src(%dma_wait3A_40 : memref<640x64xf32, #tpu.memory_space<vmem_shared>>) dst(%arg17 : memref<640x64xf32, #tpu.memory_space<vmem>>)
      tpu.yield
    }) : () -> ()
    %mul3A_26 = arith.constant 640 : i32
    %mul3A_27 = arith.muli %arg1, %mul3A_26 : i32
    "tpu.region"() ({
      %run_scoped3A_32 = tpu.sem_alloc : memref<!tpu.dma_semaphore, #tpu.memory_space<semaphore_mem>>
      %dma_start3A_33 = tpu.memref_slice %arg11[%mul3A_27] : memref<10240xf32, #tpu.memory_space<vmem_shared>> -> memref<640xf32, #tpu.memory_space<vmem_shared>>
      %dma_start3A_34 = tpu.memref_slice %arg11[%mul3A_27] : memref<10240xf32, #tpu.memory_space<vmem_shared>> -> memref<640xf32, #tpu.memory_space<vmem_shared>>
      tpu.enqueue_dma source(%dma_start3A_34 : memref<640xf32, #tpu.memory_space<vmem_shared>>) target(%arg18 : memref<640xf32, #tpu.memory_space<vmem>>) target_semaphore(%run_scoped3A_32 : memref<!tpu.dma_semaphore, #tpu.memory_space<semaphore_mem>>)
      %dma_wait3A_35 = tpu.memref_slice %arg11[%mul3A_27] : memref<10240xf32, #tpu.memory_space<vmem_shared>> -> memref<640xf32, #tpu.memory_space<vmem_shared>>
      %dma_wait3A_36 = tpu.memref_slice %arg11[%mul3A_27] : memref<10240xf32, #tpu.memory_space<vmem_shared>> -> memref<640xf32, #tpu.memory_space<vmem_shared>>
      tpu.wait_dma2 semaphore(%run_scoped3A_32 : memref<!tpu.dma_semaphore, #tpu.memory_space<semaphore_mem>>) src(%dma_wait3A_36 : memref<640xf32, #tpu.memory_space<vmem_shared>>) dst(%arg18 : memref<640xf32, #tpu.memory_space<vmem>>)
      tpu.yield
    }) : () -> ()
    %mul3A_28 = arith.constant 640 : i32
    %mul3A_29 = arith.muli %arg1, %mul3A_28 : i32
    "tpu.region"() ({
      %run_scoped3A_32 = tpu.sem_alloc : memref<!tpu.dma_semaphore, #tpu.memory_space<semaphore_mem>>
      %dma_start3A_33 = arith.constant 0 : i32
      %dma_start3A_34 = tpu.memref_slice %arg8[%arg0, %mul3A_29, %dma_start3A_33] : memref<2x10240x64xf32, #tpu.memory_space<hbm>> -> memref<1x640x64xf32, #tpu.memory_space<hbm>>
      %dma_start3A_35 = tpu.memref_squeeze %dma_start3A_34 : memref<1x640x64xf32, #tpu.memory_space<hbm>> -> memref<640x64xf32, #tpu.memory_space<hbm>>
      %dma_start3A_36 = arith.constant 0 : i32
      %dma_start3A_37 = tpu.memref_slice %arg8[%arg0, %mul3A_29, %dma_start3A_36] : memref<2x10240x64xf32, #tpu.memory_space<hbm>> -> memref<1x640x64xf32, #tpu.memory_space<hbm>>
      %dma_start3A_38 = tpu.memref_squeeze %dma_start3A_37 : memref<1x640x64xf32, #tpu.memory_space<hbm>> -> memref<640x64xf32, #tpu.memory_space<hbm>>
      tpu.enqueue_dma source(%arg17 : memref<640x64xf32, #tpu.memory_space<vmem>>) target(%dma_start3A_38 : memref<640x64xf32, #tpu.memory_space<hbm>>) target_semaphore(%run_scoped3A_32 : memref<!tpu.dma_semaphore, #tpu.memory_space<semaphore_mem>>)
      %dma_wait3A_39 = arith.constant 0 : i32
      %dma_wait3A_40 = tpu.memref_slice %arg8[%arg0, %mul3A_29, %dma_wait3A_39] : memref<2x10240x64xf32, #tpu.memory_space<hbm>> -> memref<1x640x64xf32, #tpu.memory_space<hbm>>
      %dma_wait3A_41 = tpu.memref_squeeze %dma_wait3A_40 : memref<1x640x64xf32, #tpu.memory_space<hbm>> -> memref<640x64xf32, #tpu.memory_space<hbm>>
      %dma_wait3A_42 = arith.constant 0 : i32
      %dma_wait3A_43 = tpu.memref_slice %arg8[%arg0, %mul3A_29, %dma_wait3A_42] : memref<2x10240x64xf32, #tpu.memory_space<hbm>> -> memref<1x640x64xf32, #tpu.memory_space<hbm>>
      %dma_wait3A_44 = tpu.memref_squeeze %dma_wait3A_43 : memref<1x640x64xf32, #tpu.memory_space<hbm>> -> memref<640x64xf32, #tpu.memory_space<hbm>>
      tpu.wait_dma2 semaphore(%run_scoped3A_32 : memref<!tpu.dma_semaphore, #tpu.memory_space<semaphore_mem>>) src(%arg17 : memref<640x64xf32, #tpu.memory_space<vmem>>) dst(%dma_wait3A_44 : memref<640x64xf32, #tpu.memory_space<hbm>>)
      tpu.yield
    }) : () -> ()
    %mul3A_30 = arith.constant 640 : i32
    %mul3A_31 = arith.muli %arg1, %mul3A_30 : i32
    "tpu.region"() ({
      %run_scoped3A_32 = tpu.sem_alloc : memref<!tpu.dma_semaphore, #tpu.memory_space<semaphore_mem>>
      %dma_start3A_33 = tpu.memref_slice %arg9[%arg0, %mul3A_31] : memref<2x10240xf32, #tpu.memory_space<hbm>> -> memref<1x640xf32, #tpu.memory_space<hbm>>
      %dma_start3A_34 = tpu.memref_squeeze %dma_start3A_33 : memref<1x640xf32, #tpu.memory_space<hbm>> -> memref<640xf32, #tpu.memory_space<hbm>>
      %dma_start3A_35 = tpu.memref_slice %arg9[%arg0, %mul3A_31] : memref<2x10240xf32, #tpu.memory_space<hbm>> -> memref<1x640xf32, #tpu.memory_space<hbm>>
      %dma_start3A_36 = tpu.memref_squeeze %dma_start3A_35 : memref<1x640xf32, #tpu.memory_space<hbm>> -> memref<640xf32, #tpu.memory_space<hbm>>
      tpu.enqueue_dma source(%arg18 : memref<640xf32, #tpu.memory_space<vmem>>) target(%dma_start3A_36 : memref<640xf32, #tpu.memory_space<hbm>>) target_semaphore(%run_scoped3A_32 : memref<!tpu.dma_semaphore, #tpu.memory_space<semaphore_mem>>)
      %dma_wait3A_37 = tpu.memref_slice %arg9[%arg0, %mul3A_31] : memref<2x10240xf32, #tpu.memory_space<hbm>> -> memref<1x640xf32, #tpu.memory_space<hbm>>
      %dma_wait3A_38 = tpu.memref_squeeze %dma_wait3A_37 : memref<1x640xf32, #tpu.memory_space<hbm>> -> memref<640xf32, #tpu.memory_space<hbm>>
      %dma_wait3A_39 = tpu.memref_slice %arg9[%arg0, %mul3A_31] : memref<2x10240xf32, #tpu.memory_space<hbm>> -> memref<1x640xf32, #tpu.memory_space<hbm>>
      %dma_wait3A_40 = tpu.memref_squeeze %dma_wait3A_39 : memref<1x640xf32, #tpu.memory_space<hbm>> -> memref<640xf32, #tpu.memory_space<hbm>>
      tpu.wait_dma2 semaphore(%run_scoped3A_32 : memref<!tpu.dma_semaphore, #tpu.memory_space<semaphore_mem>>) src(%arg18 : memref<640xf32, #tpu.memory_space<vmem>>) dst(%dma_wait3A_40 : memref<640xf32, #tpu.memory_space<hbm>>)
      tpu.yield
    }) : () -> ()
    return
  }
}

#map = affine_map<(d0, d1) -> (0)>
#map1 = affine_map<(d0, d1) -> (0, 0, 0)>
#map2 = affine_map<(d0, d1) -> (0, 0)>
module attributes {stable_mosaic.version = 14 : i64} {
  func.func @_agg2_body(%arg0: i32, %arg1: i32, %arg2: memref<10240xf32, #tpu.memory_space<hbm>>, %arg3: memref<32x128x80xi32, #tpu.memory_space<hbm>>, %arg4: memref<32x128x80xi32, #tpu.memory_space<hbm>>, %arg5: memref<640xf32, #tpu.memory_space<hbm>>, %arg6: memref<2x10240xf32, #tpu.memory_space<hbm>>, %arg7: memref<10240xf32, #tpu.memory_space<vmem_shared>>, %arg8: memref<128x80xi32, #tpu.memory_space<vmem>>, %arg9: memref<128x80xi32, #tpu.memory_space<vmem>>, %arg10: memref<4x80xf32, #tpu.memory_space<vmem>>, %arg11: memref<10240xf32, #tpu.memory_space<vmem>>, %arg12: memref<640xf32, #tpu.memory_space<vmem>>, %arg13: memref<!tpu.dma_semaphore, #tpu.memory_space<semaphore_mem>>, %arg14: memref<!tpu.dma_semaphore, #tpu.memory_space<semaphore_mem>>, %arg15: memref<!tpu.dma_semaphore, #tpu.memory_space<semaphore_mem>>, %arg16: memref<!tpu.dma_semaphore, #tpu.memory_space<semaphore_mem>>) attributes {dimension_semantics = [#tpu.dimension_semantics<core_parallel>, #tpu.dimension_semantics<subcore_parallel>], iteration_bounds = array<i64: 2, 16>, scalar_prefetch = 0 : i64, scratch_operands = 10 : i64, tpu.core_type = #tpu.core_type<sc_vector_subcore>, window_params = [{transform_indices = #map}, {transform_indices = #map1}, {transform_indices = #map1}, {transform_indices = #map}, {transform_indices = #map2}]} {
    %mul3A = arith.constant 16 : i32
    %mul3A_0 = arith.muli %arg0, %mul3A : i32
    %add3A = arith.addi %mul3A_0, %arg1 : i32
    "tpu.region"() ({
      %run_scoped3A = tpu.sem_alloc : memref<!tpu.dma_semaphore, #tpu.memory_space<semaphore_mem>>
      tpu.enqueue_dma source(%arg5 : memref<640xf32, #tpu.memory_space<hbm>>) target(%arg12 : memref<640xf32, #tpu.memory_space<vmem>>) target_semaphore(%run_scoped3A : memref<!tpu.dma_semaphore, #tpu.memory_space<semaphore_mem>>)
      tpu.wait_dma2 semaphore(%run_scoped3A : memref<!tpu.dma_semaphore, #tpu.memory_space<semaphore_mem>>) src(%arg5 : memref<640xf32, #tpu.memory_space<hbm>>) dst(%arg12 : memref<640xf32, #tpu.memory_space<vmem>>)
      tpu.yield
    }) : () -> ()
    %mul3A_1 = arith.constant 640 : i32
    %mul3A_2 = arith.muli %arg1, %mul3A_1 : i32
    "tpu.region"() ({
      %run_scoped3A = tpu.sem_alloc : memref<!tpu.dma_semaphore, #tpu.memory_space<semaphore_mem>>
      %dma_start3A_348 = tpu.memref_slice %arg7[%mul3A_2] : memref<10240xf32, #tpu.memory_space<vmem_shared>> -> memref<640xf32, #tpu.memory_space<vmem_shared>>
      %dma_start3A_349 = tpu.memref_slice %arg7[%mul3A_2] : memref<10240xf32, #tpu.memory_space<vmem_shared>> -> memref<640xf32, #tpu.memory_space<vmem_shared>>
      tpu.enqueue_dma source(%arg12 : memref<640xf32, #tpu.memory_space<vmem>>) target(%dma_start3A_349 : memref<640xf32, #tpu.memory_space<vmem_shared>>) target_semaphore(%run_scoped3A : memref<!tpu.dma_semaphore, #tpu.memory_space<semaphore_mem>>)
      %dma_wait3A_350 = tpu.memref_slice %arg7[%mul3A_2] : memref<10240xf32, #tpu.memory_space<vmem_shared>> -> memref<640xf32, #tpu.memory_space<vmem_shared>>
      %dma_wait3A_351 = tpu.memref_slice %arg7[%mul3A_2] : memref<10240xf32, #tpu.memory_space<vmem_shared>> -> memref<640xf32, #tpu.memory_space<vmem_shared>>
      tpu.wait_dma2 semaphore(%run_scoped3A : memref<!tpu.dma_semaphore, #tpu.memory_space<semaphore_mem>>) src(%arg12 : memref<640xf32, #tpu.memory_space<vmem>>) dst(%dma_wait3A_351 : memref<640xf32, #tpu.memory_space<vmem_shared>>)
      tpu.yield
    }) : () -> ()
    "tpu.region"() ({
      %run_scoped3A = tpu.sem_alloc : memref<!tpu.dma_semaphore, #tpu.memory_space<semaphore_mem>>
      tpu.enqueue_dma source(%arg2 : memref<10240xf32, #tpu.memory_space<hbm>>) target(%arg11 : memref<10240xf32, #tpu.memory_space<vmem>>) target_semaphore(%run_scoped3A : memref<!tpu.dma_semaphore, #tpu.memory_space<semaphore_mem>>)
      tpu.wait_dma2 semaphore(%run_scoped3A : memref<!tpu.dma_semaphore, #tpu.memory_space<semaphore_mem>>) src(%arg2 : memref<10240xf32, #tpu.memory_space<hbm>>) dst(%arg11 : memref<10240xf32, #tpu.memory_space<vmem>>)
      tpu.yield
    }) : () -> ()
    "tpu.region"() ({
      %run_scoped3A = tpu.sem_alloc : memref<!tpu.dma_semaphore, #tpu.memory_space<semaphore_mem>>
      %dma_start3A_348 = arith.constant 0 : i32
      %dma_start3A_349 = arith.constant 0 : i32
      %dma_start3A_350 = tpu.memref_slice %arg3[%add3A, %dma_start3A_348, %dma_start3A_349] : memref<32x128x80xi32, #tpu.memory_space<hbm>> -> memref<1x128x80xi32, #tpu.memory_space<hbm>>
      %dma_start3A_351 = tpu.memref_squeeze %dma_start3A_350 : memref<1x128x80xi32, #tpu.memory_space<hbm>> -> memref<128x80xi32, #tpu.memory_space<hbm>>
      %dma_start3A_352 = arith.constant 0 : i32
      %dma_start3A_353 = arith.constant 0 : i32
      %dma_start3A_354 = tpu.memref_slice %arg3[%add3A, %dma_start3A_352, %dma_start3A_353] : memref<32x128x80xi32, #tpu.memory_space<hbm>> -> memref<1x128x80xi32, #tpu.memory_space<hbm>>
      %dma_start3A_355 = tpu.memref_squeeze %dma_start3A_354 : memref<1x128x80xi32, #tpu.memory_space<hbm>> -> memref<128x80xi32, #tpu.memory_space<hbm>>
      tpu.enqueue_dma source(%dma_start3A_355 : memref<128x80xi32, #tpu.memory_space<hbm>>) target(%arg8 : memref<128x80xi32, #tpu.memory_space<vmem>>) target_semaphore(%run_scoped3A : memref<!tpu.dma_semaphore, #tpu.memory_space<semaphore_mem>>)
      %dma_wait3A_356 = arith.constant 0 : i32
      %dma_wait3A_357 = arith.constant 0 : i32
      %dma_wait3A_358 = tpu.memref_slice %arg3[%add3A, %dma_wait3A_356, %dma_wait3A_357] : memref<32x128x80xi32, #tpu.memory_space<hbm>> -> memref<1x128x80xi32, #tpu.memory_space<hbm>>
      %dma_wait3A_359 = tpu.memref_squeeze %dma_wait3A_358 : memref<1x128x80xi32, #tpu.memory_space<hbm>> -> memref<128x80xi32, #tpu.memory_space<hbm>>
      %dma_wait3A_360 = arith.constant 0 : i32
      %dma_wait3A_361 = arith.constant 0 : i32
      %dma_wait3A_362 = tpu.memref_slice %arg3[%add3A, %dma_wait3A_360, %dma_wait3A_361] : memref<32x128x80xi32, #tpu.memory_space<hbm>> -> memref<1x128x80xi32, #tpu.memory_space<hbm>>
      %dma_wait3A_363 = tpu.memref_squeeze %dma_wait3A_362 : memref<1x128x80xi32, #tpu.memory_space<hbm>> -> memref<128x80xi32, #tpu.memory_space<hbm>>
      tpu.wait_dma2 semaphore(%run_scoped3A : memref<!tpu.dma_semaphore, #tpu.memory_space<semaphore_mem>>) src(%dma_wait3A_363 : memref<128x80xi32, #tpu.memory_space<hbm>>) dst(%arg8 : memref<128x80xi32, #tpu.memory_space<vmem>>)
      tpu.yield
    }) : () -> ()
    "tpu.region"() ({
      %run_scoped3A = tpu.sem_alloc : memref<!tpu.dma_semaphore, #tpu.memory_space<semaphore_mem>>
      %dma_start3A_348 = arith.constant 0 : i32
      %dma_start3A_349 = arith.constant 0 : i32
      %dma_start3A_350 = tpu.memref_slice %arg4[%add3A, %dma_start3A_348, %dma_start3A_349] : memref<32x128x80xi32, #tpu.memory_space<hbm>> -> memref<1x128x80xi32, #tpu.memory_space<hbm>>
      %dma_start3A_351 = tpu.memref_squeeze %dma_start3A_350 : memref<1x128x80xi32, #tpu.memory_space<hbm>> -> memref<128x80xi32, #tpu.memory_space<hbm>>
      %dma_start3A_352 = arith.constant 0 : i32
      %dma_start3A_353 = arith.constant 0 : i32
      %dma_start3A_354 = tpu.memref_slice %arg4[%add3A, %dma_start3A_352, %dma_start3A_353] : memref<32x128x80xi32, #tpu.memory_space<hbm>> -> memref<1x128x80xi32, #tpu.memory_space<hbm>>
      %dma_start3A_355 = tpu.memref_squeeze %dma_start3A_354 : memref<1x128x80xi32, #tpu.memory_space<hbm>> -> memref<128x80xi32, #tpu.memory_space<hbm>>
      tpu.enqueue_dma source(%dma_start3A_355 : memref<128x80xi32, #tpu.memory_space<hbm>>) target(%arg9 : memref<128x80xi32, #tpu.memory_space<vmem>>) target_semaphore(%run_scoped3A : memref<!tpu.dma_semaphore, #tpu.memory_space<semaphore_mem>>)
      %dma_wait3A_356 = arith.constant 0 : i32
      %dma_wait3A_357 = arith.constant 0 : i32
      %dma_wait3A_358 = tpu.memref_slice %arg4[%add3A, %dma_wait3A_356, %dma_wait3A_357] : memref<32x128x80xi32, #tpu.memory_space<hbm>> -> memref<1x128x80xi32, #tpu.memory_space<hbm>>
      %dma_wait3A_359 = tpu.memref_squeeze %dma_wait3A_358 : memref<1x128x80xi32, #tpu.memory_space<hbm>> -> memref<128x80xi32, #tpu.memory_space<hbm>>
      %dma_wait3A_360 = arith.constant 0 : i32
      %dma_wait3A_361 = arith.constant 0 : i32
      %dma_wait3A_362 = tpu.memref_slice %arg4[%add3A, %dma_wait3A_360, %dma_wait3A_361] : memref<32x128x80xi32, #tpu.memory_space<hbm>> -> memref<1x128x80xi32, #tpu.memory_space<hbm>>
      %dma_wait3A_363 = tpu.memref_squeeze %dma_wait3A_362 : memref<1x128x80xi32, #tpu.memory_space<hbm>> -> memref<128x80xi32, #tpu.memory_space<hbm>>
      tpu.wait_dma2 semaphore(%run_scoped3A : memref<!tpu.dma_semaphore, #tpu.memory_space<semaphore_mem>>) src(%dma_wait3A_363 : memref<128x80xi32, #tpu.memory_space<hbm>>) dst(%arg9 : memref<128x80xi32, #tpu.memory_space<vmem>>)
      tpu.yield
    }) : () -> ()
    %barrier3A = arith.constant 0 : index
    tpu.barrier barrier_id(%barrier3A)
    %get3A = arith.constant 0 : i32
    %get3A_3 = arith.constant 0 : i32
    %get3A_4 = tpu.memref_slice %arg8[%get3A, %get3A_3] : memref<128x80xi32, #tpu.memory_space<vmem>> -> memref<1x80xi32, #tpu.memory_space<vmem>>
    %get3A_5 = tpu.memref_squeeze %get3A_4 : memref<1x80xi32, #tpu.memory_space<vmem>> -> memref<80xi32, #tpu.memory_space<vmem>>
    %get3A_6 = arith.constant 0 : index
    %get3A_7 = tpu.vector_load %get3A_5[%get3A_6] {strides = array<i32>} : memref<80xi32, #tpu.memory_space<vmem>>, vector<16xi32>,
    %gather3A = tpu.vector_load_idx %arg11[%get3A_7] : memref<10240xf32, #tpu.memory_space<vmem>>[vector<16xi32>], vector<16xf32>,
    %swap3A = arith.constant 0 : i32
    %swap3A_8 = arith.constant 0 : i32
    %swap3A_9 = tpu.memref_slice %arg10[%swap3A, %swap3A_8] : memref<4x80xf32, #tpu.memory_space<vmem>> -> memref<1x80xf32, #tpu.memory_space<vmem>>
    %swap3A_10 = tpu.memref_squeeze %swap3A_9 : memref<1x80xf32, #tpu.memory_space<vmem>> -> memref<80xf32, #tpu.memory_space<vmem>>
    %swap3A_11 = arith.constant 0 : index
    %swap3A_12 = tpu.vector_load %swap3A_10[%swap3A_11] {strides = array<i32>} : memref<80xf32, #tpu.memory_space<vmem>>, vector<16xf32>,
    tpu.vector_store %swap3A_10[%swap3A_11], %gather3A {strides = array<i32>} : memref<80xf32, #tpu.memory_space<vmem>>, vector<16xf32>,
    %get3A_13 = arith.constant 0 : i32
    %get3A_14 = arith.constant 0 : i32
    %get3A_15 = tpu.memref_slice %arg8[%get3A_13, %get3A_14] : memref<128x80xi32, #tpu.memory_space<vmem>> -> memref<1x80xi32, #tpu.memory_space<vmem>>
    %get3A_16 = tpu.memref_squeeze %get3A_15 : memref<1x80xi32, #tpu.memory_space<vmem>> -> memref<80xi32, #tpu.memory_space<vmem>>
    %get3A_17 = arith.constant 16 : index
    %get3A_18 = tpu.vector_load %get3A_16[%get3A_17] {strides = array<i32>} : memref<80xi32, #tpu.memory_space<vmem>>, vector<16xi32>,
    %gather3A_19 = tpu.vector_load_idx %arg11[%get3A_18] : memref<10240xf32, #tpu.memory_space<vmem>>[vector<16xi32>], vector<16xf32>,
    %swap3A_20 = arith.constant 0 : i32
    %swap3A_21 = arith.constant 0 : i32
    %swap3A_22 = tpu.memref_slice %arg10[%swap3A_20, %swap3A_21] : memref<4x80xf32, #tpu.memory_space<vmem>> -> memref<1x80xf32, #tpu.memory_space<vmem>>
    %swap3A_23 = tpu.memref_squeeze %swap3A_22 : memref<1x80xf32, #tpu.memory_space<vmem>> -> memref<80xf32, #tpu.memory_space<vmem>>
    %swap3A_24 = arith.constant 16 : index
    %swap3A_25 = tpu.vector_load %swap3A_23[%swap3A_24] {strides = array<i32>} : memref<80xf32, #tpu.memory_space<vmem>>, vector<16xf32>,
    tpu.vector_store %swap3A_23[%swap3A_24], %gather3A_19 {strides = array<i32>} : memref<80xf32, #tpu.memory_space<vmem>>, vector<16xf32>,
    %get3A_26 = arith.constant 0 : i32
    %get3A_27 = arith.constant 0 : i32
    %get3A_28 = tpu.memref_slice %arg8[%get3A_26, %get3A_27] : memref<128x80xi32, #tpu.memory_space<vmem>> -> memref<1x80xi32, #tpu.memory_space<vmem>>
    %get3A_29 = tpu.memref_squeeze %get3A_28 : memref<1x80xi32, #tpu.memory_space<vmem>> -> memref<80xi32, #tpu.memory_space<vmem>>
    %get3A_30 = arith.constant 32 : index
    %get3A_31 = tpu.vector_load %get3A_29[%get3A_30] {strides = array<i32>} : memref<80xi32, #tpu.memory_space<vmem>>, vector<16xi32>,
    %gather3A_32 = tpu.vector_load_idx %arg11[%get3A_31] : memref<10240xf32, #tpu.memory_space<vmem>>[vector<16xi32>], vector<16xf32>,
    %swap3A_33 = arith.constant 0 : i32
    %swap3A_34 = arith.constant 0 : i32
    %swap3A_35 = tpu.memref_slice %arg10[%swap3A_33, %swap3A_34] : memref<4x80xf32, #tpu.memory_space<vmem>> -> memref<1x80xf32, #tpu.memory_space<vmem>>
    %swap3A_36 = tpu.memref_squeeze %swap3A_35 : memref<1x80xf32, #tpu.memory_space<vmem>> -> memref<80xf32, #tpu.memory_space<vmem>>
    %swap3A_37 = arith.constant 32 : index
    %swap3A_38 = tpu.vector_load %swap3A_36[%swap3A_37] {strides = array<i32>} : memref<80xf32, #tpu.memory_space<vmem>>, vector<16xf32>,
    tpu.vector_store %swap3A_36[%swap3A_37], %gather3A_32 {strides = array<i32>} : memref<80xf32, #tpu.memory_space<vmem>>, vector<16xf32>,
    %get3A_39 = arith.constant 0 : i32
    %get3A_40 = arith.constant 0 : i32
    %get3A_41 = tpu.memref_slice %arg8[%get3A_39, %get3A_40] : memref<128x80xi32, #tpu.memory_space<vmem>> -> memref<1x80xi32, #tpu.memory_space<vmem>>
    %get3A_42 = tpu.memref_squeeze %get3A_41 : memref<1x80xi32, #tpu.memory_space<vmem>> -> memref<80xi32, #tpu.memory_space<vmem>>
    %get3A_43 = arith.constant 48 : index
    %get3A_44 = tpu.vector_load %get3A_42[%get3A_43] {strides = array<i32>} : memref<80xi32, #tpu.memory_space<vmem>>, vector<16xi32>,
    %gather3A_45 = tpu.vector_load_idx %arg11[%get3A_44] : memref<10240xf32, #tpu.memory_space<vmem>>[vector<16xi32>], vector<16xf32>,
    %swap3A_46 = arith.constant 0 : i32
    %swap3A_47 = arith.constant 0 : i32
    %swap3A_48 = tpu.memref_slice %arg10[%swap3A_46, %swap3A_47] : memref<4x80xf32, #tpu.memory_space<vmem>> -> memref<1x80xf32, #tpu.memory_space<vmem>>
    %swap3A_49 = tpu.memref_squeeze %swap3A_48 : memref<1x80xf32, #tpu.memory_space<vmem>> -> memref<80xf32, #tpu.memory_space<vmem>>
    %swap3A_50 = arith.constant 48 : index
    %swap3A_51 = tpu.vector_load %swap3A_49[%swap3A_50] {strides = array<i32>} : memref<80xf32, #tpu.memory_space<vmem>>, vector<16xf32>,
    tpu.vector_store %swap3A_49[%swap3A_50], %gather3A_45 {strides = array<i32>} : memref<80xf32, #tpu.memory_space<vmem>>, vector<16xf32>,
    %get3A_52 = arith.constant 0 : i32
    %get3A_53 = arith.constant 0 : i32
    %get3A_54 = tpu.memref_slice %arg8[%get3A_52, %get3A_53] : memref<128x80xi32, #tpu.memory_space<vmem>> -> memref<1x80xi32, #tpu.memory_space<vmem>>
    %get3A_55 = tpu.memref_squeeze %get3A_54 : memref<1x80xi32, #tpu.memory_space<vmem>> -> memref<80xi32, #tpu.memory_space<vmem>>
    %get3A_56 = arith.constant 64 : index
    %get3A_57 = tpu.vector_load %get3A_55[%get3A_56] {strides = array<i32>} : memref<80xi32, #tpu.memory_space<vmem>>, vector<16xi32>,
    %gather3A_58 = tpu.vector_load_idx %arg11[%get3A_57] : memref<10240xf32, #tpu.memory_space<vmem>>[vector<16xi32>], vector<16xf32>,
    %swap3A_59 = arith.constant 0 : i32
    %swap3A_60 = arith.constant 0 : i32
    %swap3A_61 = tpu.memref_slice %arg10[%swap3A_59, %swap3A_60] : memref<4x80xf32, #tpu.memory_space<vmem>> -> memref<1x80xf32, #tpu.memory_space<vmem>>
    %swap3A_62 = tpu.memref_squeeze %swap3A_61 : memref<1x80xf32, #tpu.memory_space<vmem>> -> memref<80xf32, #tpu.memory_space<vmem>>
    %swap3A_63 = arith.constant 64 : index
    %swap3A_64 = tpu.vector_load %swap3A_62[%swap3A_63] {strides = array<i32>} : memref<80xf32, #tpu.memory_space<vmem>>, vector<16xf32>,
    tpu.vector_store %swap3A_62[%swap3A_63], %gather3A_58 {strides = array<i32>} : memref<80xf32, #tpu.memory_space<vmem>>, vector<16xf32>,
    %dma_start3A = arith.constant 0 : i32
    %dma_start3A_65 = arith.constant 0 : i32
    %dma_start3A_66 = arith.constant 0 : i32
    %dma_start3A_67 = tpu.memref_slice %arg10[%dma_start3A, %dma_start3A_66] : memref<4x80xf32, #tpu.memory_space<vmem>> -> memref<1x80xf32, #tpu.memory_space<vmem>>
    %dma_start3A_68 = tpu.memref_squeeze %dma_start3A_67 : memref<1x80xf32, #tpu.memory_space<vmem>> -> memref<80xf32, #tpu.memory_space<vmem>>
    %dma_start3A_69 = arith.constant 0 : i32
    %dma_start3A_70 = tpu.memref_slice %arg9[%dma_start3A_65, %dma_start3A_69] : memref<128x80xi32, #tpu.memory_space<vmem>> -> memref<1x80xi32, #tpu.memory_space<vmem>>
    %dma_start3A_71 = tpu.memref_squeeze %dma_start3A_70 : memref<1x80xi32, #tpu.memory_space<vmem>> -> memref<80xi32, #tpu.memory_space<vmem>>
    %dma_start3A_72 = arith.constant 0 : i32
    %dma_start3A_73 = tpu.memref_slice %arg7[%dma_start3A_72] : memref<10240xf32, #tpu.memory_space<vmem_shared>> -> memref<10240xf32, #tpu.memory_space<vmem_shared>>
    tpu.enqueue_indirect_dma source(%dma_start3A_68 : memref<80xf32, #tpu.memory_space<vmem>>) target(%dma_start3A_73 : memref<10240xf32, #tpu.memory_space<vmem_shared>>) offsets(%dma_start3A_71 : memref<80xi32, #tpu.memory_space<vmem>>) semaphore(%arg13 : memref<!tpu.dma_semaphore, #tpu.memory_space<semaphore_mem>>) {add = true}
    %get3A_74 = arith.constant 1 : i32
    %get3A_75 = arith.constant 0 : i32
    %get3A_76 = tpu.memref_slice %arg8[%get3A_74, %get3A_75] : memref<128x80xi32, #tpu.memory_space<vmem>> -> memref<1x80xi32, #tpu.memory_space<vmem>>
    %get3A_77 = tpu.memref_squeeze %get3A_76 : memref<1x80xi32, #tpu.memory_space<vmem>> -> memref<80xi32, #tpu.memory_space<vmem>>
    %get3A_78 = arith.constant 0 : index
    %get3A_79 = tpu.vector_load %get3A_77[%get3A_78] {strides = array<i32>} : memref<80xi32, #tpu.memory_space<vmem>>, vector<16xi32>,
    %gather3A_80 = tpu.vector_load_idx %arg11[%get3A_79] : memref<10240xf32, #tpu.memory_space<vmem>>[vector<16xi32>], vector<16xf32>,
    %swap3A_81 = arith.constant 1 : i32
    %swap3A_82 = arith.constant 0 : i32
    %swap3A_83 = tpu.memref_slice %arg10[%swap3A_81, %swap3A_82] : memref<4x80xf32, #tpu.memory_space<vmem>> -> memref<1x80xf32, #tpu.memory_space<vmem>>
    %swap3A_84 = tpu.memref_squeeze %swap3A_83 : memref<1x80xf32, #tpu.memory_space<vmem>> -> memref<80xf32, #tpu.memory_space<vmem>>
    %swap3A_85 = arith.constant 0 : index
    %swap3A_86 = tpu.vector_load %swap3A_84[%swap3A_85] {strides = array<i32>} : memref<80xf32, #tpu.memory_space<vmem>>, vector<16xf32>,
    tpu.vector_store %swap3A_84[%swap3A_85], %gather3A_80 {strides = array<i32>} : memref<80xf32, #tpu.memory_space<vmem>>, vector<16xf32>,
    %get3A_87 = arith.constant 1 : i32
    %get3A_88 = arith.constant 0 : i32
    %get3A_89 = tpu.memref_slice %arg8[%get3A_87, %get3A_88] : memref<128x80xi32, #tpu.memory_space<vmem>> -> memref<1x80xi32, #tpu.memory_space<vmem>>
    %get3A_90 = tpu.memref_squeeze %get3A_89 : memref<1x80xi32, #tpu.memory_space<vmem>> -> memref<80xi32, #tpu.memory_space<vmem>>
    %get3A_91 = arith.constant 16 : index
    %get3A_92 = tpu.vector_load %get3A_90[%get3A_91] {strides = array<i32>} : memref<80xi32, #tpu.memory_space<vmem>>, vector<16xi32>,
    %gather3A_93 = tpu.vector_load_idx %arg11[%get3A_92] : memref<10240xf32, #tpu.memory_space<vmem>>[vector<16xi32>], vector<16xf32>,
    %swap3A_94 = arith.constant 1 : i32
    %swap3A_95 = arith.constant 0 : i32
    %swap3A_96 = tpu.memref_slice %arg10[%swap3A_94, %swap3A_95] : memref<4x80xf32, #tpu.memory_space<vmem>> -> memref<1x80xf32, #tpu.memory_space<vmem>>
    %swap3A_97 = tpu.memref_squeeze %swap3A_96 : memref<1x80xf32, #tpu.memory_space<vmem>> -> memref<80xf32, #tpu.memory_space<vmem>>
    %swap3A_98 = arith.constant 16 : index
    %swap3A_99 = tpu.vector_load %swap3A_97[%swap3A_98] {strides = array<i32>} : memref<80xf32, #tpu.memory_space<vmem>>, vector<16xf32>,
    tpu.vector_store %swap3A_97[%swap3A_98], %gather3A_93 {strides = array<i32>} : memref<80xf32, #tpu.memory_space<vmem>>, vector<16xf32>,
    %get3A_100 = arith.constant 1 : i32
    %get3A_101 = arith.constant 0 : i32
    %get3A_102 = tpu.memref_slice %arg8[%get3A_100, %get3A_101] : memref<128x80xi32, #tpu.memory_space<vmem>> -> memref<1x80xi32, #tpu.memory_space<vmem>>
    %get3A_103 = tpu.memref_squeeze %get3A_102 : memref<1x80xi32, #tpu.memory_space<vmem>> -> memref<80xi32, #tpu.memory_space<vmem>>
    %get3A_104 = arith.constant 32 : index
    %get3A_105 = tpu.vector_load %get3A_103[%get3A_104] {strides = array<i32>} : memref<80xi32, #tpu.memory_space<vmem>>, vector<16xi32>,
    %gather3A_106 = tpu.vector_load_idx %arg11[%get3A_105] : memref<10240xf32, #tpu.memory_space<vmem>>[vector<16xi32>], vector<16xf32>,
    %swap3A_107 = arith.constant 1 : i32
    %swap3A_108 = arith.constant 0 : i32
    %swap3A_109 = tpu.memref_slice %arg10[%swap3A_107, %swap3A_108] : memref<4x80xf32, #tpu.memory_space<vmem>> -> memref<1x80xf32, #tpu.memory_space<vmem>>
    %swap3A_110 = tpu.memref_squeeze %swap3A_109 : memref<1x80xf32, #tpu.memory_space<vmem>> -> memref<80xf32, #tpu.memory_space<vmem>>
    %swap3A_111 = arith.constant 32 : index
    %swap3A_112 = tpu.vector_load %swap3A_110[%swap3A_111] {strides = array<i32>} : memref<80xf32, #tpu.memory_space<vmem>>, vector<16xf32>,
    tpu.vector_store %swap3A_110[%swap3A_111], %gather3A_106 {strides = array<i32>} : memref<80xf32, #tpu.memory_space<vmem>>, vector<16xf32>,
    %get3A_113 = arith.constant 1 : i32
    %get3A_114 = arith.constant 0 : i32
    %get3A_115 = tpu.memref_slice %arg8[%get3A_113, %get3A_114] : memref<128x80xi32, #tpu.memory_space<vmem>> -> memref<1x80xi32, #tpu.memory_space<vmem>>
    %get3A_116 = tpu.memref_squeeze %get3A_115 : memref<1x80xi32, #tpu.memory_space<vmem>> -> memref<80xi32, #tpu.memory_space<vmem>>
    %get3A_117 = arith.constant 48 : index
    %get3A_118 = tpu.vector_load %get3A_116[%get3A_117] {strides = array<i32>} : memref<80xi32, #tpu.memory_space<vmem>>, vector<16xi32>,
    %gather3A_119 = tpu.vector_load_idx %arg11[%get3A_118] : memref<10240xf32, #tpu.memory_space<vmem>>[vector<16xi32>], vector<16xf32>,
    %swap3A_120 = arith.constant 1 : i32
    %swap3A_121 = arith.constant 0 : i32
    %swap3A_122 = tpu.memref_slice %arg10[%swap3A_120, %swap3A_121] : memref<4x80xf32, #tpu.memory_space<vmem>> -> memref<1x80xf32, #tpu.memory_space<vmem>>
    %swap3A_123 = tpu.memref_squeeze %swap3A_122 : memref<1x80xf32, #tpu.memory_space<vmem>> -> memref<80xf32, #tpu.memory_space<vmem>>
    %swap3A_124 = arith.constant 48 : index
    %swap3A_125 = tpu.vector_load %swap3A_123[%swap3A_124] {strides = array<i32>} : memref<80xf32, #tpu.memory_space<vmem>>, vector<16xf32>,
    tpu.vector_store %swap3A_123[%swap3A_124], %gather3A_119 {strides = array<i32>} : memref<80xf32, #tpu.memory_space<vmem>>, vector<16xf32>,
    %get3A_126 = arith.constant 1 : i32
    %get3A_127 = arith.constant 0 : i32
    %get3A_128 = tpu.memref_slice %arg8[%get3A_126, %get3A_127] : memref<128x80xi32, #tpu.memory_space<vmem>> -> memref<1x80xi32, #tpu.memory_space<vmem>>
    %get3A_129 = tpu.memref_squeeze %get3A_128 : memref<1x80xi32, #tpu.memory_space<vmem>> -> memref<80xi32, #tpu.memory_space<vmem>>
    %get3A_130 = arith.constant 64 : index
    %get3A_131 = tpu.vector_load %get3A_129[%get3A_130] {strides = array<i32>} : memref<80xi32, #tpu.memory_space<vmem>>, vector<16xi32>,
    %gather3A_132 = tpu.vector_load_idx %arg11[%get3A_131] : memref<10240xf32, #tpu.memory_space<vmem>>[vector<16xi32>], vector<16xf32>,
    %swap3A_133 = arith.constant 1 : i32
    %swap3A_134 = arith.constant 0 : i32
    %swap3A_135 = tpu.memref_slice %arg10[%swap3A_133, %swap3A_134] : memref<4x80xf32, #tpu.memory_space<vmem>> -> memref<1x80xf32, #tpu.memory_space<vmem>>
    %swap3A_136 = tpu.memref_squeeze %swap3A_135 : memref<1x80xf32, #tpu.memory_space<vmem>> -> memref<80xf32, #tpu.memory_space<vmem>>
    %swap3A_137 = arith.constant 64 : index
    %swap3A_138 = tpu.vector_load %swap3A_136[%swap3A_137] {strides = array<i32>} : memref<80xf32, #tpu.memory_space<vmem>>, vector<16xf32>,
    tpu.vector_store %swap3A_136[%swap3A_137], %gather3A_132 {strides = array<i32>} : memref<80xf32, #tpu.memory_space<vmem>>, vector<16xf32>,
    %dma_start3A_139 = arith.constant 1 : i32
    %dma_start3A_140 = arith.constant 1 : i32
    %dma_start3A_141 = arith.constant 0 : i32
    %dma_start3A_142 = tpu.memref_slice %arg10[%dma_start3A_139, %dma_start3A_141] : memref<4x80xf32, #tpu.memory_space<vmem>> -> memref<1x80xf32, #tpu.memory_space<vmem>>
    %dma_start3A_143 = tpu.memref_squeeze %dma_start3A_142 : memref<1x80xf32, #tpu.memory_space<vmem>> -> memref<80xf32, #tpu.memory_space<vmem>>
    %dma_start3A_144 = arith.constant 0 : i32
    %dma_start3A_145 = tpu.memref_slice %arg9[%dma_start3A_140, %dma_start3A_144] : memref<128x80xi32, #tpu.memory_space<vmem>> -> memref<1x80xi32, #tpu.memory_space<vmem>>
    %dma_start3A_146 = tpu.memref_squeeze %dma_start3A_145 : memref<1x80xi32, #tpu.memory_space<vmem>> -> memref<80xi32, #tpu.memory_space<vmem>>
    %dma_start3A_147 = arith.constant 0 : i32
    %dma_start3A_148 = tpu.memref_slice %arg7[%dma_start3A_147] : memref<10240xf32, #tpu.memory_space<vmem_shared>> -> memref<10240xf32, #tpu.memory_space<vmem_shared>>
    tpu.enqueue_indirect_dma source(%dma_start3A_143 : memref<80xf32, #tpu.memory_space<vmem>>) target(%dma_start3A_148 : memref<10240xf32, #tpu.memory_space<vmem_shared>>) offsets(%dma_start3A_146 : memref<80xi32, #tpu.memory_space<vmem>>) semaphore(%arg14 : memref<!tpu.dma_semaphore, #tpu.memory_space<semaphore_mem>>) {add = true}
    %get3A_149 = arith.constant 2 : i32
    %get3A_150 = arith.constant 0 : i32
    %get3A_151 = tpu.memref_slice %arg8[%get3A_149, %get3A_150] : memref<128x80xi32, #tpu.memory_space<vmem>> -> memref<1x80xi32, #tpu.memory_space<vmem>>
    %get3A_152 = tpu.memref_squeeze %get3A_151 : memref<1x80xi32, #tpu.memory_space<vmem>> -> memref<80xi32, #tpu.memory_space<vmem>>
    %get3A_153 = arith.constant 0 : index
    %get3A_154 = tpu.vector_load %get3A_152[%get3A_153] {strides = array<i32>} : memref<80xi32, #tpu.memory_space<vmem>>, vector<16xi32>,
    %gather3A_155 = tpu.vector_load_idx %arg11[%get3A_154] : memref<10240xf32, #tpu.memory_space<vmem>>[vector<16xi32>], vector<16xf32>,
    %swap3A_156 = arith.constant 2 : i32
    %swap3A_157 = arith.constant 0 : i32
    %swap3A_158 = tpu.memref_slice %arg10[%swap3A_156, %swap3A_157] : memref<4x80xf32, #tpu.memory_space<vmem>> -> memref<1x80xf32, #tpu.memory_space<vmem>>
    %swap3A_159 = tpu.memref_squeeze %swap3A_158 : memref<1x80xf32, #tpu.memory_space<vmem>> -> memref<80xf32, #tpu.memory_space<vmem>>
    %swap3A_160 = arith.constant 0 : index
    %swap3A_161 = tpu.vector_load %swap3A_159[%swap3A_160] {strides = array<i32>} : memref<80xf32, #tpu.memory_space<vmem>>, vector<16xf32>,
    tpu.vector_store %swap3A_159[%swap3A_160], %gather3A_155 {strides = array<i32>} : memref<80xf32, #tpu.memory_space<vmem>>, vector<16xf32>,
    %get3A_162 = arith.constant 2 : i32
    %get3A_163 = arith.constant 0 : i32
    %get3A_164 = tpu.memref_slice %arg8[%get3A_162, %get3A_163] : memref<128x80xi32, #tpu.memory_space<vmem>> -> memref<1x80xi32, #tpu.memory_space<vmem>>
    %get3A_165 = tpu.memref_squeeze %get3A_164 : memref<1x80xi32, #tpu.memory_space<vmem>> -> memref<80xi32, #tpu.memory_space<vmem>>
    %get3A_166 = arith.constant 16 : index
    %get3A_167 = tpu.vector_load %get3A_165[%get3A_166] {strides = array<i32>} : memref<80xi32, #tpu.memory_space<vmem>>, vector<16xi32>,
    %gather3A_168 = tpu.vector_load_idx %arg11[%get3A_167] : memref<10240xf32, #tpu.memory_space<vmem>>[vector<16xi32>], vector<16xf32>,
    %swap3A_169 = arith.constant 2 : i32
    %swap3A_170 = arith.constant 0 : i32
    %swap3A_171 = tpu.memref_slice %arg10[%swap3A_169, %swap3A_170] : memref<4x80xf32, #tpu.memory_space<vmem>> -> memref<1x80xf32, #tpu.memory_space<vmem>>
    %swap3A_172 = tpu.memref_squeeze %swap3A_171 : memref<1x80xf32, #tpu.memory_space<vmem>> -> memref<80xf32, #tpu.memory_space<vmem>>
    %swap3A_173 = arith.constant 16 : index
    %swap3A_174 = tpu.vector_load %swap3A_172[%swap3A_173] {strides = array<i32>} : memref<80xf32, #tpu.memory_space<vmem>>, vector<16xf32>,
    tpu.vector_store %swap3A_172[%swap3A_173], %gather3A_168 {strides = array<i32>} : memref<80xf32, #tpu.memory_space<vmem>>, vector<16xf32>,
    %get3A_175 = arith.constant 2 : i32
    %get3A_176 = arith.constant 0 : i32
    %get3A_177 = tpu.memref_slice %arg8[%get3A_175, %get3A_176] : memref<128x80xi32, #tpu.memory_space<vmem>> -> memref<1x80xi32, #tpu.memory_space<vmem>>
    %get3A_178 = tpu.memref_squeeze %get3A_177 : memref<1x80xi32, #tpu.memory_space<vmem>> -> memref<80xi32, #tpu.memory_space<vmem>>
    %get3A_179 = arith.constant 32 : index
    %get3A_180 = tpu.vector_load %get3A_178[%get3A_179] {strides = array<i32>} : memref<80xi32, #tpu.memory_space<vmem>>, vector<16xi32>,
    %gather3A_181 = tpu.vector_load_idx %arg11[%get3A_180] : memref<10240xf32, #tpu.memory_space<vmem>>[vector<16xi32>], vector<16xf32>,
    %swap3A_182 = arith.constant 2 : i32
    %swap3A_183 = arith.constant 0 : i32
    %swap3A_184 = tpu.memref_slice %arg10[%swap3A_182, %swap3A_183] : memref<4x80xf32, #tpu.memory_space<vmem>> -> memref<1x80xf32, #tpu.memory_space<vmem>>
    %swap3A_185 = tpu.memref_squeeze %swap3A_184 : memref<1x80xf32, #tpu.memory_space<vmem>> -> memref<80xf32, #tpu.memory_space<vmem>>
    %swap3A_186 = arith.constant 32 : index
    %swap3A_187 = tpu.vector_load %swap3A_185[%swap3A_186] {strides = array<i32>} : memref<80xf32, #tpu.memory_space<vmem>>, vector<16xf32>,
    tpu.vector_store %swap3A_185[%swap3A_186], %gather3A_181 {strides = array<i32>} : memref<80xf32, #tpu.memory_space<vmem>>, vector<16xf32>,
    %get3A_188 = arith.constant 2 : i32
    %get3A_189 = arith.constant 0 : i32
    %get3A_190 = tpu.memref_slice %arg8[%get3A_188, %get3A_189] : memref<128x80xi32, #tpu.memory_space<vmem>> -> memref<1x80xi32, #tpu.memory_space<vmem>>
    %get3A_191 = tpu.memref_squeeze %get3A_190 : memref<1x80xi32, #tpu.memory_space<vmem>> -> memref<80xi32, #tpu.memory_space<vmem>>
    %get3A_192 = arith.constant 48 : index
    %get3A_193 = tpu.vector_load %get3A_191[%get3A_192] {strides = array<i32>} : memref<80xi32, #tpu.memory_space<vmem>>, vector<16xi32>,
    %gather3A_194 = tpu.vector_load_idx %arg11[%get3A_193] : memref<10240xf32, #tpu.memory_space<vmem>>[vector<16xi32>], vector<16xf32>,
    %swap3A_195 = arith.constant 2 : i32
    %swap3A_196 = arith.constant 0 : i32
    %swap3A_197 = tpu.memref_slice %arg10[%swap3A_195, %swap3A_196] : memref<4x80xf32, #tpu.memory_space<vmem>> -> memref<1x80xf32, #tpu.memory_space<vmem>>
    %swap3A_198 = tpu.memref_squeeze %swap3A_197 : memref<1x80xf32, #tpu.memory_space<vmem>> -> memref<80xf32, #tpu.memory_space<vmem>>
    %swap3A_199 = arith.constant 48 : index
    %swap3A_200 = tpu.vector_load %swap3A_198[%swap3A_199] {strides = array<i32>} : memref<80xf32, #tpu.memory_space<vmem>>, vector<16xf32>,
    tpu.vector_store %swap3A_198[%swap3A_199], %gather3A_194 {strides = array<i32>} : memref<80xf32, #tpu.memory_space<vmem>>, vector<16xf32>,
    %get3A_201 = arith.constant 2 : i32
    %get3A_202 = arith.constant 0 : i32
    %get3A_203 = tpu.memref_slice %arg8[%get3A_201, %get3A_202] : memref<128x80xi32, #tpu.memory_space<vmem>> -> memref<1x80xi32, #tpu.memory_space<vmem>>
    %get3A_204 = tpu.memref_squeeze %get3A_203 : memref<1x80xi32, #tpu.memory_space<vmem>> -> memref<80xi32, #tpu.memory_space<vmem>>
    %get3A_205 = arith.constant 64 : index
    %get3A_206 = tpu.vector_load %get3A_204[%get3A_205] {strides = array<i32>} : memref<80xi32, #tpu.memory_space<vmem>>, vector<16xi32>,
    %gather3A_207 = tpu.vector_load_idx %arg11[%get3A_206] : memref<10240xf32, #tpu.memory_space<vmem>>[vector<16xi32>], vector<16xf32>,
    %swap3A_208 = arith.constant 2 : i32
    %swap3A_209 = arith.constant 0 : i32
    %swap3A_210 = tpu.memref_slice %arg10[%swap3A_208, %swap3A_209] : memref<4x80xf32, #tpu.memory_space<vmem>> -> memref<1x80xf32, #tpu.memory_space<vmem>>
    %swap3A_211 = tpu.memref_squeeze %swap3A_210 : memref<1x80xf32, #tpu.memory_space<vmem>> -> memref<80xf32, #tpu.memory_space<vmem>>
    %swap3A_212 = arith.constant 64 : index
    %swap3A_213 = tpu.vector_load %swap3A_211[%swap3A_212] {strides = array<i32>} : memref<80xf32, #tpu.memory_space<vmem>>, vector<16xf32>,
    tpu.vector_store %swap3A_211[%swap3A_212], %gather3A_207 {strides = array<i32>} : memref<80xf32, #tpu.memory_space<vmem>>, vector<16xf32>,
    %dma_start3A_214 = arith.constant 2 : i32
    %dma_start3A_215 = arith.constant 2 : i32
    %dma_start3A_216 = arith.constant 0 : i32
    %dma_start3A_217 = tpu.memref_slice %arg10[%dma_start3A_214, %dma_start3A_216] : memref<4x80xf32, #tpu.memory_space<vmem>> -> memref<1x80xf32, #tpu.memory_space<vmem>>
    %dma_start3A_218 = tpu.memref_squeeze %dma_start3A_217 : memref<1x80xf32, #tpu.memory_space<vmem>> -> memref<80xf32, #tpu.memory_space<vmem>>
    %dma_start3A_219 = arith.constant 0 : i32
    %dma_start3A_220 = tpu.memref_slice %arg9[%dma_start3A_215, %dma_start3A_219] : memref<128x80xi32, #tpu.memory_space<vmem>> -> memref<1x80xi32, #tpu.memory_space<vmem>>
    %dma_start3A_221 = tpu.memref_squeeze %dma_start3A_220 : memref<1x80xi32, #tpu.memory_space<vmem>> -> memref<80xi32, #tpu.memory_space<vmem>>
    %dma_start3A_222 = arith.constant 0 : i32
    %dma_start3A_223 = tpu.memref_slice %arg7[%dma_start3A_222] : memref<10240xf32, #tpu.memory_space<vmem_shared>> -> memref<10240xf32, #tpu.memory_space<vmem_shared>>
    tpu.enqueue_indirect_dma source(%dma_start3A_218 : memref<80xf32, #tpu.memory_space<vmem>>) target(%dma_start3A_223 : memref<10240xf32, #tpu.memory_space<vmem_shared>>) offsets(%dma_start3A_221 : memref<80xi32, #tpu.memory_space<vmem>>) semaphore(%arg15 : memref<!tpu.dma_semaphore, #tpu.memory_space<semaphore_mem>>) {add = true}
    %get3A_224 = arith.constant 3 : i32
    %get3A_225 = arith.constant 0 : i32
    %get3A_226 = tpu.memref_slice %arg8[%get3A_224, %get3A_225] : memref<128x80xi32, #tpu.memory_space<vmem>> -> memref<1x80xi32, #tpu.memory_space<vmem>>
    %get3A_227 = tpu.memref_squeeze %get3A_226 : memref<1x80xi32, #tpu.memory_space<vmem>> -> memref<80xi32, #tpu.memory_space<vmem>>
    %get3A_228 = arith.constant 0 : index
    %get3A_229 = tpu.vector_load %get3A_227[%get3A_228] {strides = array<i32>} : memref<80xi32, #tpu.memory_space<vmem>>, vector<16xi32>,
    %gather3A_230 = tpu.vector_load_idx %arg11[%get3A_229] : memref<10240xf32, #tpu.memory_space<vmem>>[vector<16xi32>], vector<16xf32>,
    %swap3A_231 = arith.constant 3 : i32
    %swap3A_232 = arith.constant 0 : i32
    %swap3A_233 = tpu.memref_slice %arg10[%swap3A_231, %swap3A_232] : memref<4x80xf32, #tpu.memory_space<vmem>> -> memref<1x80xf32, #tpu.memory_space<vmem>>
    %swap3A_234 = tpu.memref_squeeze %swap3A_233 : memref<1x80xf32, #tpu.memory_space<vmem>> -> memref<80xf32, #tpu.memory_space<vmem>>
    %swap3A_235 = arith.constant 0 : index
    %swap3A_236 = tpu.vector_load %swap3A_234[%swap3A_235] {strides = array<i32>} : memref<80xf32, #tpu.memory_space<vmem>>, vector<16xf32>,
    tpu.vector_store %swap3A_234[%swap3A_235], %gather3A_230 {strides = array<i32>} : memref<80xf32, #tpu.memory_space<vmem>>, vector<16xf32>,
    %get3A_237 = arith.constant 3 : i32
    %get3A_238 = arith.constant 0 : i32
    %get3A_239 = tpu.memref_slice %arg8[%get3A_237, %get3A_238] : memref<128x80xi32, #tpu.memory_space<vmem>> -> memref<1x80xi32, #tpu.memory_space<vmem>>
    %get3A_240 = tpu.memref_squeeze %get3A_239 : memref<1x80xi32, #tpu.memory_space<vmem>> -> memref<80xi32, #tpu.memory_space<vmem>>
    %get3A_241 = arith.constant 16 : index
    %get3A_242 = tpu.vector_load %get3A_240[%get3A_241] {strides = array<i32>} : memref<80xi32, #tpu.memory_space<vmem>>, vector<16xi32>,
    %gather3A_243 = tpu.vector_load_idx %arg11[%get3A_242] : memref<10240xf32, #tpu.memory_space<vmem>>[vector<16xi32>], vector<16xf32>,
    %swap3A_244 = arith.constant 3 : i32
    %swap3A_245 = arith.constant 0 : i32
    %swap3A_246 = tpu.memref_slice %arg10[%swap3A_244, %swap3A_245] : memref<4x80xf32, #tpu.memory_space<vmem>> -> memref<1x80xf32, #tpu.memory_space<vmem>>
    %swap3A_247 = tpu.memref_squeeze %swap3A_246 : memref<1x80xf32, #tpu.memory_space<vmem>> -> memref<80xf32, #tpu.memory_space<vmem>>
    %swap3A_248 = arith.constant 16 : index
    %swap3A_249 = tpu.vector_load %swap3A_247[%swap3A_248] {strides = array<i32>} : memref<80xf32, #tpu.memory_space<vmem>>, vector<16xf32>,
    tpu.vector_store %swap3A_247[%swap3A_248], %gather3A_243 {strides = array<i32>} : memref<80xf32, #tpu.memory_space<vmem>>, vector<16xf32>,
    %get3A_250 = arith.constant 3 : i32
    %get3A_251 = arith.constant 0 : i32
    %get3A_252 = tpu.memref_slice %arg8[%get3A_250, %get3A_251] : memref<128x80xi32, #tpu.memory_space<vmem>> -> memref<1x80xi32, #tpu.memory_space<vmem>>
    %get3A_253 = tpu.memref_squeeze %get3A_252 : memref<1x80xi32, #tpu.memory_space<vmem>> -> memref<80xi32, #tpu.memory_space<vmem>>
    %get3A_254 = arith.constant 32 : index
    %get3A_255 = tpu.vector_load %get3A_253[%get3A_254] {strides = array<i32>} : memref<80xi32, #tpu.memory_space<vmem>>, vector<16xi32>,
    %gather3A_256 = tpu.vector_load_idx %arg11[%get3A_255] : memref<10240xf32, #tpu.memory_space<vmem>>[vector<16xi32>], vector<16xf32>,
    %swap3A_257 = arith.constant 3 : i32
    %swap3A_258 = arith.constant 0 : i32
    %swap3A_259 = tpu.memref_slice %arg10[%swap3A_257, %swap3A_258] : memref<4x80xf32, #tpu.memory_space<vmem>> -> memref<1x80xf32, #tpu.memory_space<vmem>>
    %swap3A_260 = tpu.memref_squeeze %swap3A_259 : memref<1x80xf32, #tpu.memory_space<vmem>> -> memref<80xf32, #tpu.memory_space<vmem>>
    %swap3A_261 = arith.constant 32 : index
    %swap3A_262 = tpu.vector_load %swap3A_260[%swap3A_261] {strides = array<i32>} : memref<80xf32, #tpu.memory_space<vmem>>, vector<16xf32>,
    tpu.vector_store %swap3A_260[%swap3A_261], %gather3A_256 {strides = array<i32>} : memref<80xf32, #tpu.memory_space<vmem>>, vector<16xf32>,
    %get3A_263 = arith.constant 3 : i32
    %get3A_264 = arith.constant 0 : i32
    %get3A_265 = tpu.memref_slice %arg8[%get3A_263, %get3A_264] : memref<128x80xi32, #tpu.memory_space<vmem>> -> memref<1x80xi32, #tpu.memory_space<vmem>>
    %get3A_266 = tpu.memref_squeeze %get3A_265 : memref<1x80xi32, #tpu.memory_space<vmem>> -> memref<80xi32, #tpu.memory_space<vmem>>
    %get3A_267 = arith.constant 48 : index
    %get3A_268 = tpu.vector_load %get3A_266[%get3A_267] {strides = array<i32>} : memref<80xi32, #tpu.memory_space<vmem>>, vector<16xi32>,
    %gather3A_269 = tpu.vector_load_idx %arg11[%get3A_268] : memref<10240xf32, #tpu.memory_space<vmem>>[vector<16xi32>], vector<16xf32>,
    %swap3A_270 = arith.constant 3 : i32
    %swap3A_271 = arith.constant 0 : i32
    %swap3A_272 = tpu.memref_slice %arg10[%swap3A_270, %swap3A_271] : memref<4x80xf32, #tpu.memory_space<vmem>> -> memref<1x80xf32, #tpu.memory_space<vmem>>
    %swap3A_273 = tpu.memref_squeeze %swap3A_272 : memref<1x80xf32, #tpu.memory_space<vmem>> -> memref<80xf32, #tpu.memory_space<vmem>>
    %swap3A_274 = arith.constant 48 : index
    %swap3A_275 = tpu.vector_load %swap3A_273[%swap3A_274] {strides = array<i32>} : memref<80xf32, #tpu.memory_space<vmem>>, vector<16xf32>,
    tpu.vector_store %swap3A_273[%swap3A_274], %gather3A_269 {strides = array<i32>} : memref<80xf32, #tpu.memory_space<vmem>>, vector<16xf32>,
    %get3A_276 = arith.constant 3 : i32
    %get3A_277 = arith.constant 0 : i32
    %get3A_278 = tpu.memref_slice %arg8[%get3A_276, %get3A_277] : memref<128x80xi32, #tpu.memory_space<vmem>> -> memref<1x80xi32, #tpu.memory_space<vmem>>
    %get3A_279 = tpu.memref_squeeze %get3A_278 : memref<1x80xi32, #tpu.memory_space<vmem>> -> memref<80xi32, #tpu.memory_space<vmem>>
    %get3A_280 = arith.constant 64 : index
    %get3A_281 = tpu.vector_load %get3A_279[%get3A_280] {strides = array<i32>} : memref<80xi32, #tpu.memory_space<vmem>>, vector<16xi32>,
    %gather3A_282 = tpu.vector_load_idx %arg11[%get3A_281] : memref<10240xf32, #tpu.memory_space<vmem>>[vector<16xi32>], vector<16xf32>,
    %swap3A_283 = arith.constant 3 : i32
    %swap3A_284 = arith.constant 0 : i32
    %swap3A_285 = tpu.memref_slice %arg10[%swap3A_283, %swap3A_284] : memref<4x80xf32, #tpu.memory_space<vmem>> -> memref<1x80xf32, #tpu.memory_space<vmem>>
    %swap3A_286 = tpu.memref_squeeze %swap3A_285 : memref<1x80xf32, #tpu.memory_space<vmem>> -> memref<80xf32, #tpu.memory_space<vmem>>
    %swap3A_287 = arith.constant 64 : index
    %swap3A_288 = tpu.vector_load %swap3A_286[%swap3A_287] {strides = array<i32>} : memref<80xf32, #tpu.memory_space<vmem>>, vector<16xf32>,
    tpu.vector_store %swap3A_286[%swap3A_287], %gather3A_282 {strides = array<i32>} : memref<80xf32, #tpu.memory_space<vmem>>, vector<16xf32>,
    %dma_start3A_289 = arith.constant 3 : i32
    %dma_start3A_290 = arith.constant 3 : i32
    %dma_start3A_291 = arith.constant 0 : i32
    %dma_start3A_292 = tpu.memref_slice %arg10[%dma_start3A_289, %dma_start3A_291] : memref<4x80xf32, #tpu.memory_space<vmem>> -> memref<1x80xf32, #tpu.memory_space<vmem>>
    %dma_start3A_293 = tpu.memref_squeeze %dma_start3A_292 : memref<1x80xf32, #tpu.memory_space<vmem>> -> memref<80xf32, #tpu.memory_space<vmem>>
    %dma_start3A_294 = arith.constant 0 : i32
    %dma_start3A_295 = tpu.memref_slice %arg9[%dma_start3A_290, %dma_start3A_294] : memref<128x80xi32, #tpu.memory_space<vmem>> -> memref<1x80xi32, #tpu.memory_space<vmem>>
    %dma_start3A_296 = tpu.memref_squeeze %dma_start3A_295 : memref<1x80xi32, #tpu.memory_space<vmem>> -> memref<80xi32, #tpu.memory_space<vmem>>
    %dma_start3A_297 = arith.constant 0 : i32
    %dma_start3A_298 = tpu.memref_slice %arg7[%dma_start3A_297] : memref<10240xf32, #tpu.memory_space<vmem_shared>> -> memref<10240xf32, #tpu.memory_space<vmem_shared>>
    tpu.enqueue_indirect_dma source(%dma_start3A_293 : memref<80xf32, #tpu.memory_space<vmem>>) target(%dma_start3A_298 : memref<10240xf32, #tpu.memory_space<vmem_shared>>) offsets(%dma_start3A_296 : memref<80xi32, #tpu.memory_space<vmem>>) semaphore(%arg16 : memref<!tpu.dma_semaphore, #tpu.memory_space<semaphore_mem>>) {add = true}
    %scan3A = arith.constant 0 : i32
    %scan3A_299 = arith.constant 1 : i32
    %scan3A_300 = arith.constant 31 : i32
    %scan3A_301 = arith.addi %scan3A_299, %scan3A_300 : i32
    %scan3A_302 = arith.constant 1 : i32
    scf.for %scan3A_348 = %scan3A_299 to %scan3A_301 step %scan3A_302  : i32 {
      %mul3A_349 = arith.constant 4 : i32
      %mul3A_350 = arith.muli %scan3A_348, %mul3A_349 : i32
      %add3A_351 = arith.constant 0 : i32
      %add3A_352 = arith.addi %mul3A_350, %add3A_351 : i32
      %dma_wait3A_353 = arith.constant 0 : i32
      %dma_wait3A_354 = arith.constant 0 : i32
      %dma_wait3A_355 = arith.constant 0 : i32
      %dma_wait3A_356 = tpu.memref_slice %arg10[%dma_wait3A_353, %dma_wait3A_355] : memref<4x80xf32, #tpu.memory_space<vmem>> -> memref<1x80xf32, #tpu.memory_space<vmem>>
      %dma_wait3A_357 = tpu.memref_squeeze %dma_wait3A_356 : memref<1x80xf32, #tpu.memory_space<vmem>> -> memref<80xf32, #tpu.memory_space<vmem>>
      %dma_wait3A_358 = arith.constant 0 : i32
      %dma_wait3A_359 = tpu.memref_slice %arg9[%dma_wait3A_354, %dma_wait3A_358] : memref<128x80xi32, #tpu.memory_space<vmem>> -> memref<1x80xi32, #tpu.memory_space<vmem>>
      %dma_wait3A_360 = tpu.memref_squeeze %dma_wait3A_359 : memref<1x80xi32, #tpu.memory_space<vmem>> -> memref<80xi32, #tpu.memory_space<vmem>>
      %dma_wait3A_361 = arith.constant 0 : i32
      %dma_wait3A_362 = tpu.memref_slice %arg7[%dma_wait3A_361] : memref<10240xf32, #tpu.memory_space<vmem_shared>> -> memref<10240xf32, #tpu.memory_space<vmem_shared>>
      tpu.wait_indirect_dma semaphore(%arg13 : memref<!tpu.dma_semaphore, #tpu.memory_space<semaphore_mem>>) src(%dma_wait3A_357 : memref<80xf32, #tpu.memory_space<vmem>>) dst(%dma_wait3A_362 : memref<10240xf32, #tpu.memory_space<vmem_shared>>)
      %get3A_363 = arith.constant 0 : i32
      %get3A_364 = tpu.memref_slice %arg8[%add3A_352, %get3A_363] : memref<128x80xi32, #tpu.memory_space<vmem>> -> memref<1x80xi32, #tpu.memory_space<vmem>>
      %get3A_365 = tpu.memref_squeeze %get3A_364 : memref<1x80xi32, #tpu.memory_space<vmem>> -> memref<80xi32, #tpu.memory_space<vmem>>
      %get3A_366 = arith.constant 0 : index
      %get3A_367 = tpu.vector_load %get3A_365[%get3A_366] {strides = array<i32>} : memref<80xi32, #tpu.memory_space<vmem>>, vector<16xi32>,
      %gather3A_368 = tpu.vector_load_idx %arg11[%get3A_367] : memref<10240xf32, #tpu.memory_space<vmem>>[vector<16xi32>], vector<16xf32>,
      %swap3A_369 = arith.constant 0 : i32
      %swap3A_370 = arith.constant 0 : i32
      %swap3A_371 = tpu.memref_slice %arg10[%swap3A_369, %swap3A_370] : memref<4x80xf32, #tpu.memory_space<vmem>> -> memref<1x80xf32, #tpu.memory_space<vmem>>
      %swap3A_372 = tpu.memref_squeeze %swap3A_371 : memref<1x80xf32, #tpu.memory_space<vmem>> -> memref<80xf32, #tpu.memory_space<vmem>>
      %swap3A_373 = arith.constant 0 : index
      %swap3A_374 = tpu.vector_load %swap3A_372[%swap3A_373] {strides = array<i32>} : memref<80xf32, #tpu.memory_space<vmem>>, vector<16xf32>,
      tpu.vector_store %swap3A_372[%swap3A_373], %gather3A_368 {strides = array<i32>} : memref<80xf32, #tpu.memory_space<vmem>>, vector<16xf32>,
      %get3A_375 = arith.constant 0 : i32
      %get3A_376 = tpu.memref_slice %arg8[%add3A_352, %get3A_375] : memref<128x80xi32, #tpu.memory_space<vmem>> -> memref<1x80xi32, #tpu.memory_space<vmem>>
      %get3A_377 = tpu.memref_squeeze %get3A_376 : memref<1x80xi32, #tpu.memory_space<vmem>> -> memref<80xi32, #tpu.memory_space<vmem>>
      %get3A_378 = arith.constant 16 : index
      %get3A_379 = tpu.vector_load %get3A_377[%get3A_378] {strides = array<i32>} : memref<80xi32, #tpu.memory_space<vmem>>, vector<16xi32>,
      %gather3A_380 = tpu.vector_load_idx %arg11[%get3A_379] : memref<10240xf32, #tpu.memory_space<vmem>>[vector<16xi32>], vector<16xf32>,
      %swap3A_381 = arith.constant 0 : i32
      %swap3A_382 = arith.constant 0 : i32
      %swap3A_383 = tpu.memref_slice %arg10[%swap3A_381, %swap3A_382] : memref<4x80xf32, #tpu.memory_space<vmem>> -> memref<1x80xf32, #tpu.memory_space<vmem>>
      %swap3A_384 = tpu.memref_squeeze %swap3A_383 : memref<1x80xf32, #tpu.memory_space<vmem>> -> memref<80xf32, #tpu.memory_space<vmem>>
      %swap3A_385 = arith.constant 16 : index
      %swap3A_386 = tpu.vector_load %swap3A_384[%swap3A_385] {strides = array<i32>} : memref<80xf32, #tpu.memory_space<vmem>>, vector<16xf32>,
      tpu.vector_store %swap3A_384[%swap3A_385], %gather3A_380 {strides = array<i32>} : memref<80xf32, #tpu.memory_space<vmem>>, vector<16xf32>,
      %get3A_387 = arith.constant 0 : i32
      %get3A_388 = tpu.memref_slice %arg8[%add3A_352, %get3A_387] : memref<128x80xi32, #tpu.memory_space<vmem>> -> memref<1x80xi32, #tpu.memory_space<vmem>>
      %get3A_389 = tpu.memref_squeeze %get3A_388 : memref<1x80xi32, #tpu.memory_space<vmem>> -> memref<80xi32, #tpu.memory_space<vmem>>
      %get3A_390 = arith.constant 32 : index
      %get3A_391 = tpu.vector_load %get3A_389[%get3A_390] {strides = array<i32>} : memref<80xi32, #tpu.memory_space<vmem>>, vector<16xi32>,
      %gather3A_392 = tpu.vector_load_idx %arg11[%get3A_391] : memref<10240xf32, #tpu.memory_space<vmem>>[vector<16xi32>], vector<16xf32>,
      %swap3A_393 = arith.constant 0 : i32
      %swap3A_394 = arith.constant 0 : i32
      %swap3A_395 = tpu.memref_slice %arg10[%swap3A_393, %swap3A_394] : memref<4x80xf32, #tpu.memory_space<vmem>> -> memref<1x80xf32, #tpu.memory_space<vmem>>
      %swap3A_396 = tpu.memref_squeeze %swap3A_395 : memref<1x80xf32, #tpu.memory_space<vmem>> -> memref<80xf32, #tpu.memory_space<vmem>>
      %swap3A_397 = arith.constant 32 : index
      %swap3A_398 = tpu.vector_load %swap3A_396[%swap3A_397] {strides = array<i32>} : memref<80xf32, #tpu.memory_space<vmem>>, vector<16xf32>,
      tpu.vector_store %swap3A_396[%swap3A_397], %gather3A_392 {strides = array<i32>} : memref<80xf32, #tpu.memory_space<vmem>>, vector<16xf32>,
      %get3A_399 = arith.constant 0 : i32
      %get3A_400 = tpu.memref_slice %arg8[%add3A_352, %get3A_399] : memref<128x80xi32, #tpu.memory_space<vmem>> -> memref<1x80xi32, #tpu.memory_space<vmem>>
      %get3A_401 = tpu.memref_squeeze %get3A_400 : memref<1x80xi32, #tpu.memory_space<vmem>> -> memref<80xi32, #tpu.memory_space<vmem>>
      %get3A_402 = arith.constant 48 : index
      %get3A_403 = tpu.vector_load %get3A_401[%get3A_402] {strides = array<i32>} : memref<80xi32, #tpu.memory_space<vmem>>, vector<16xi32>,
      %gather3A_404 = tpu.vector_load_idx %arg11[%get3A_403] : memref<10240xf32, #tpu.memory_space<vmem>>[vector<16xi32>], vector<16xf32>,
      %swap3A_405 = arith.constant 0 : i32
      %swap3A_406 = arith.constant 0 : i32
      %swap3A_407 = tpu.memref_slice %arg10[%swap3A_405, %swap3A_406] : memref<4x80xf32, #tpu.memory_space<vmem>> -> memref<1x80xf32, #tpu.memory_space<vmem>>
      %swap3A_408 = tpu.memref_squeeze %swap3A_407 : memref<1x80xf32, #tpu.memory_space<vmem>> -> memref<80xf32, #tpu.memory_space<vmem>>
      %swap3A_409 = arith.constant 48 : index
      %swap3A_410 = tpu.vector_load %swap3A_408[%swap3A_409] {strides = array<i32>} : memref<80xf32, #tpu.memory_space<vmem>>, vector<16xf32>,
      tpu.vector_store %swap3A_408[%swap3A_409], %gather3A_404 {strides = array<i32>} : memref<80xf32, #tpu.memory_space<vmem>>, vector<16xf32>,
      %get3A_411 = arith.constant 0 : i32
      %get3A_412 = tpu.memref_slice %arg8[%add3A_352, %get3A_411] : memref<128x80xi32, #tpu.memory_space<vmem>> -> memref<1x80xi32, #tpu.memory_space<vmem>>
      %get3A_413 = tpu.memref_squeeze %get3A_412 : memref<1x80xi32, #tpu.memory_space<vmem>> -> memref<80xi32, #tpu.memory_space<vmem>>
      %get3A_414 = arith.constant 64 : index
      %get3A_415 = tpu.vector_load %get3A_413[%get3A_414] {strides = array<i32>} : memref<80xi32, #tpu.memory_space<vmem>>, vector<16xi32>,
      %gather3A_416 = tpu.vector_load_idx %arg11[%get3A_415] : memref<10240xf32, #tpu.memory_space<vmem>>[vector<16xi32>], vector<16xf32>,
      %swap3A_417 = arith.constant 0 : i32
      %swap3A_418 = arith.constant 0 : i32
      %swap3A_419 = tpu.memref_slice %arg10[%swap3A_417, %swap3A_418] : memref<4x80xf32, #tpu.memory_space<vmem>> -> memref<1x80xf32, #tpu.memory_space<vmem>>
      %swap3A_420 = tpu.memref_squeeze %swap3A_419 : memref<1x80xf32, #tpu.memory_space<vmem>> -> memref<80xf32, #tpu.memory_space<vmem>>
      %swap3A_421 = arith.constant 64 : index
      %swap3A_422 = tpu.vector_load %swap3A_420[%swap3A_421] {strides = array<i32>} : memref<80xf32, #tpu.memory_space<vmem>>, vector<16xf32>,
      tpu.vector_store %swap3A_420[%swap3A_421], %gather3A_416 {strides = array<i32>} : memref<80xf32, #tpu.memory_space<vmem>>, vector<16xf32>,
      %dma_start3A_423 = arith.constant 0 : i32
      %dma_start3A_424 = arith.constant 0 : i32
      %dma_start3A_425 = tpu.memref_slice %arg10[%dma_start3A_423, %dma_start3A_424] : memref<4x80xf32, #tpu.memory_space<vmem>> -> memref<1x80xf32, #tpu.memory_space<vmem>>
      %dma_start3A_426 = tpu.memref_squeeze %dma_start3A_425 : memref<1x80xf32, #tpu.memory_space<vmem>> -> memref<80xf32, #tpu.memory_space<vmem>>
      %dma_start3A_427 = arith.constant 0 : i32
      %dma_start3A_428 = tpu.memref_slice %arg9[%add3A_352, %dma_start3A_427] : memref<128x80xi32, #tpu.memory_space<vmem>> -> memref<1x80xi32, #tpu.memory_space<vmem>>
      %dma_start3A_429 = tpu.memref_squeeze %dma_start3A_428 : memref<1x80xi32, #tpu.memory_space<vmem>> -> memref<80xi32, #tpu.memory_space<vmem>>
      %dma_start3A_430 = arith.constant 0 : i32
      %dma_start3A_431 = tpu.memref_slice %arg7[%dma_start3A_430] : memref<10240xf32, #tpu.memory_space<vmem_shared>> -> memref<10240xf32, #tpu.memory_space<vmem_shared>>
      tpu.enqueue_indirect_dma source(%dma_start3A_426 : memref<80xf32, #tpu.memory_space<vmem>>) target(%dma_start3A_431 : memref<10240xf32, #tpu.memory_space<vmem_shared>>) offsets(%dma_start3A_429 : memref<80xi32, #tpu.memory_space<vmem>>) semaphore(%arg13 : memref<!tpu.dma_semaphore, #tpu.memory_space<semaphore_mem>>) {add = true}
      %mul3A_432 = arith.constant 4 : i32
      %mul3A_433 = arith.muli %scan3A_348, %mul3A_432 : i32
      %add3A_434 = arith.constant 1 : i32
      %add3A_435 = arith.addi %mul3A_433, %add3A_434 : i32
      %dma_wait3A_436 = arith.constant 1 : i32
      %dma_wait3A_437 = arith.constant 0 : i32
      %dma_wait3A_438 = arith.constant 0 : i32
      %dma_wait3A_439 = tpu.memref_slice %arg10[%dma_wait3A_436, %dma_wait3A_438] : memref<4x80xf32, #tpu.memory_space<vmem>> -> memref<1x80xf32, #tpu.memory_space<vmem>>
      %dma_wait3A_440 = tpu.memref_squeeze %dma_wait3A_439 : memref<1x80xf32, #tpu.memory_space<vmem>> -> memref<80xf32, #tpu.memory_space<vmem>>
      %dma_wait3A_441 = arith.constant 0 : i32
      %dma_wait3A_442 = tpu.memref_slice %arg9[%dma_wait3A_437, %dma_wait3A_441] : memref<128x80xi32, #tpu.memory_space<vmem>> -> memref<1x80xi32, #tpu.memory_space<vmem>>
      %dma_wait3A_443 = tpu.memref_squeeze %dma_wait3A_442 : memref<1x80xi32, #tpu.memory_space<vmem>> -> memref<80xi32, #tpu.memory_space<vmem>>
      %dma_wait3A_444 = arith.constant 0 : i32
      %dma_wait3A_445 = tpu.memref_slice %arg7[%dma_wait3A_444] : memref<10240xf32, #tpu.memory_space<vmem_shared>> -> memref<10240xf32, #tpu.memory_space<vmem_shared>>
      tpu.wait_indirect_dma semaphore(%arg14 : memref<!tpu.dma_semaphore, #tpu.memory_space<semaphore_mem>>) src(%dma_wait3A_440 : memref<80xf32, #tpu.memory_space<vmem>>) dst(%dma_wait3A_445 : memref<10240xf32, #tpu.memory_space<vmem_shared>>)
      %get3A_446 = arith.constant 0 : i32
      %get3A_447 = tpu.memref_slice %arg8[%add3A_435, %get3A_446] : memref<128x80xi32, #tpu.memory_space<vmem>> -> memref<1x80xi32, #tpu.memory_space<vmem>>
      %get3A_448 = tpu.memref_squeeze %get3A_447 : memref<1x80xi32, #tpu.memory_space<vmem>> -> memref<80xi32, #tpu.memory_space<vmem>>
      %get3A_449 = arith.constant 0 : index
      %get3A_450 = tpu.vector_load %get3A_448[%get3A_449] {strides = array<i32>} : memref<80xi32, #tpu.memory_space<vmem>>, vector<16xi32>,
      %gather3A_451 = tpu.vector_load_idx %arg11[%get3A_450] : memref<10240xf32, #tpu.memory_space<vmem>>[vector<16xi32>], vector<16xf32>,
      %swap3A_452 = arith.constant 1 : i32
      %swap3A_453 = arith.constant 0 : i32
      %swap3A_454 = tpu.memref_slice %arg10[%swap3A_452, %swap3A_453] : memref<4x80xf32, #tpu.memory_space<vmem>> -> memref<1x80xf32, #tpu.memory_space<vmem>>
      %swap3A_455 = tpu.memref_squeeze %swap3A_454 : memref<1x80xf32, #tpu.memory_space<vmem>> -> memref<80xf32, #tpu.memory_space<vmem>>
      %swap3A_456 = arith.constant 0 : index
      %swap3A_457 = tpu.vector_load %swap3A_455[%swap3A_456] {strides = array<i32>} : memref<80xf32, #tpu.memory_space<vmem>>, vector<16xf32>,
      tpu.vector_store %swap3A_455[%swap3A_456], %gather3A_451 {strides = array<i32>} : memref<80xf32, #tpu.memory_space<vmem>>, vector<16xf32>,
      %get3A_458 = arith.constant 0 : i32
      %get3A_459 = tpu.memref_slice %arg8[%add3A_435, %get3A_458] : memref<128x80xi32, #tpu.memory_space<vmem>> -> memref<1x80xi32, #tpu.memory_space<vmem>>
      %get3A_460 = tpu.memref_squeeze %get3A_459 : memref<1x80xi32, #tpu.memory_space<vmem>> -> memref<80xi32, #tpu.memory_space<vmem>>
      %get3A_461 = arith.constant 16 : index
      %get3A_462 = tpu.vector_load %get3A_460[%get3A_461] {strides = array<i32>} : memref<80xi32, #tpu.memory_space<vmem>>, vector<16xi32>,
      %gather3A_463 = tpu.vector_load_idx %arg11[%get3A_462] : memref<10240xf32, #tpu.memory_space<vmem>>[vector<16xi32>], vector<16xf32>,
      %swap3A_464 = arith.constant 1 : i32
      %swap3A_465 = arith.constant 0 : i32
      %swap3A_466 = tpu.memref_slice %arg10[%swap3A_464, %swap3A_465] : memref<4x80xf32, #tpu.memory_space<vmem>> -> memref<1x80xf32, #tpu.memory_space<vmem>>
      %swap3A_467 = tpu.memref_squeeze %swap3A_466 : memref<1x80xf32, #tpu.memory_space<vmem>> -> memref<80xf32, #tpu.memory_space<vmem>>
      %swap3A_468 = arith.constant 16 : index
      %swap3A_469 = tpu.vector_load %swap3A_467[%swap3A_468] {strides = array<i32>} : memref<80xf32, #tpu.memory_space<vmem>>, vector<16xf32>,
      tpu.vector_store %swap3A_467[%swap3A_468], %gather3A_463 {strides = array<i32>} : memref<80xf32, #tpu.memory_space<vmem>>, vector<16xf32>,
      %get3A_470 = arith.constant 0 : i32
      %get3A_471 = tpu.memref_slice %arg8[%add3A_435, %get3A_470] : memref<128x80xi32, #tpu.memory_space<vmem>> -> memref<1x80xi32, #tpu.memory_space<vmem>>
      %get3A_472 = tpu.memref_squeeze %get3A_471 : memref<1x80xi32, #tpu.memory_space<vmem>> -> memref<80xi32, #tpu.memory_space<vmem>>
      %get3A_473 = arith.constant 32 : index
      %get3A_474 = tpu.vector_load %get3A_472[%get3A_473] {strides = array<i32>} : memref<80xi32, #tpu.memory_space<vmem>>, vector<16xi32>,
      %gather3A_475 = tpu.vector_load_idx %arg11[%get3A_474] : memref<10240xf32, #tpu.memory_space<vmem>>[vector<16xi32>], vector<16xf32>,
      %swap3A_476 = arith.constant 1 : i32
      %swap3A_477 = arith.constant 0 : i32
      %swap3A_478 = tpu.memref_slice %arg10[%swap3A_476, %swap3A_477] : memref<4x80xf32, #tpu.memory_space<vmem>> -> memref<1x80xf32, #tpu.memory_space<vmem>>
      %swap3A_479 = tpu.memref_squeeze %swap3A_478 : memref<1x80xf32, #tpu.memory_space<vmem>> -> memref<80xf32, #tpu.memory_space<vmem>>
      %swap3A_480 = arith.constant 32 : index
      %swap3A_481 = tpu.vector_load %swap3A_479[%swap3A_480] {strides = array<i32>} : memref<80xf32, #tpu.memory_space<vmem>>, vector<16xf32>,
      tpu.vector_store %swap3A_479[%swap3A_480], %gather3A_475 {strides = array<i32>} : memref<80xf32, #tpu.memory_space<vmem>>, vector<16xf32>,
      %get3A_482 = arith.constant 0 : i32
      %get3A_483 = tpu.memref_slice %arg8[%add3A_435, %get3A_482] : memref<128x80xi32, #tpu.memory_space<vmem>> -> memref<1x80xi32, #tpu.memory_space<vmem>>
      %get3A_484 = tpu.memref_squeeze %get3A_483 : memref<1x80xi32, #tpu.memory_space<vmem>> -> memref<80xi32, #tpu.memory_space<vmem>>
      %get3A_485 = arith.constant 48 : index
      %get3A_486 = tpu.vector_load %get3A_484[%get3A_485] {strides = array<i32>} : memref<80xi32, #tpu.memory_space<vmem>>, vector<16xi32>,
      %gather3A_487 = tpu.vector_load_idx %arg11[%get3A_486] : memref<10240xf32, #tpu.memory_space<vmem>>[vector<16xi32>], vector<16xf32>,
      %swap3A_488 = arith.constant 1 : i32
      %swap3A_489 = arith.constant 0 : i32
      %swap3A_490 = tpu.memref_slice %arg10[%swap3A_488, %swap3A_489] : memref<4x80xf32, #tpu.memory_space<vmem>> -> memref<1x80xf32, #tpu.memory_space<vmem>>
      %swap3A_491 = tpu.memref_squeeze %swap3A_490 : memref<1x80xf32, #tpu.memory_space<vmem>> -> memref<80xf32, #tpu.memory_space<vmem>>
      %swap3A_492 = arith.constant 48 : index
      %swap3A_493 = tpu.vector_load %swap3A_491[%swap3A_492] {strides = array<i32>} : memref<80xf32, #tpu.memory_space<vmem>>, vector<16xf32>,
      tpu.vector_store %swap3A_491[%swap3A_492], %gather3A_487 {strides = array<i32>} : memref<80xf32, #tpu.memory_space<vmem>>, vector<16xf32>,
      %get3A_494 = arith.constant 0 : i32
      %get3A_495 = tpu.memref_slice %arg8[%add3A_435, %get3A_494] : memref<128x80xi32, #tpu.memory_space<vmem>> -> memref<1x80xi32, #tpu.memory_space<vmem>>
      %get3A_496 = tpu.memref_squeeze %get3A_495 : memref<1x80xi32, #tpu.memory_space<vmem>> -> memref<80xi32, #tpu.memory_space<vmem>>
      %get3A_497 = arith.constant 64 : index
      %get3A_498 = tpu.vector_load %get3A_496[%get3A_497] {strides = array<i32>} : memref<80xi32, #tpu.memory_space<vmem>>, vector<16xi32>,
      %gather3A_499 = tpu.vector_load_idx %arg11[%get3A_498] : memref<10240xf32, #tpu.memory_space<vmem>>[vector<16xi32>], vector<16xf32>,
      %swap3A_500 = arith.constant 1 : i32
      %swap3A_501 = arith.constant 0 : i32
      %swap3A_502 = tpu.memref_slice %arg10[%swap3A_500, %swap3A_501] : memref<4x80xf32, #tpu.memory_space<vmem>> -> memref<1x80xf32, #tpu.memory_space<vmem>>
      %swap3A_503 = tpu.memref_squeeze %swap3A_502 : memref<1x80xf32, #tpu.memory_space<vmem>> -> memref<80xf32, #tpu.memory_space<vmem>>
      %swap3A_504 = arith.constant 64 : index
      %swap3A_505 = tpu.vector_load %swap3A_503[%swap3A_504] {strides = array<i32>} : memref<80xf32, #tpu.memory_space<vmem>>, vector<16xf32>,
      tpu.vector_store %swap3A_503[%swap3A_504], %gather3A_499 {strides = array<i32>} : memref<80xf32, #tpu.memory_space<vmem>>, vector<16xf32>,
      %dma_start3A_506 = arith.constant 1 : i32
      %dma_start3A_507 = arith.constant 0 : i32
      %dma_start3A_508 = tpu.memref_slice %arg10[%dma_start3A_506, %dma_start3A_507] : memref<4x80xf32, #tpu.memory_space<vmem>> -> memref<1x80xf32, #tpu.memory_space<vmem>>
      %dma_start3A_509 = tpu.memref_squeeze %dma_start3A_508 : memref<1x80xf32, #tpu.memory_space<vmem>> -> memref<80xf32, #tpu.memory_space<vmem>>
      %dma_start3A_510 = arith.constant 0 : i32
      %dma_start3A_511 = tpu.memref_slice %arg9[%add3A_435, %dma_start3A_510] : memref<128x80xi32, #tpu.memory_space<vmem>> -> memref<1x80xi32, #tpu.memory_space<vmem>>
      %dma_start3A_512 = tpu.memref_squeeze %dma_start3A_511 : memref<1x80xi32, #tpu.memory_space<vmem>> -> memref<80xi32, #tpu.memory_space<vmem>>
      %dma_start3A_513 = arith.constant 0 : i32
      %dma_start3A_514 = tpu.memref_slice %arg7[%dma_start3A_513] : memref<10240xf32, #tpu.memory_space<vmem_shared>> -> memref<10240xf32, #tpu.memory_space<vmem_shared>>
      tpu.enqueue_indirect_dma source(%dma_start3A_509 : memref<80xf32, #tpu.memory_space<vmem>>) target(%dma_start3A_514 : memref<10240xf32, #tpu.memory_space<vmem_shared>>) offsets(%dma_start3A_512 : memref<80xi32, #tpu.memory_space<vmem>>) semaphore(%arg14 : memref<!tpu.dma_semaphore, #tpu.memory_space<semaphore_mem>>) {add = true}
      %mul3A_515 = arith.constant 4 : i32
      %mul3A_516 = arith.muli %scan3A_348, %mul3A_515 : i32
      %add3A_517 = arith.constant 2 : i32
      %add3A_518 = arith.addi %mul3A_516, %add3A_517 : i32
      %dma_wait3A_519 = arith.constant 2 : i32
      %dma_wait3A_520 = arith.constant 0 : i32
      %dma_wait3A_521 = arith.constant 0 : i32
      %dma_wait3A_522 = tpu.memref_slice %arg10[%dma_wait3A_519, %dma_wait3A_521] : memref<4x80xf32, #tpu.memory_space<vmem>> -> memref<1x80xf32, #tpu.memory_space<vmem>>
      %dma_wait3A_523 = tpu.memref_squeeze %dma_wait3A_522 : memref<1x80xf32, #tpu.memory_space<vmem>> -> memref<80xf32, #tpu.memory_space<vmem>>
      %dma_wait3A_524 = arith.constant 0 : i32
      %dma_wait3A_525 = tpu.memref_slice %arg9[%dma_wait3A_520, %dma_wait3A_524] : memref<128x80xi32, #tpu.memory_space<vmem>> -> memref<1x80xi32, #tpu.memory_space<vmem>>
      %dma_wait3A_526 = tpu.memref_squeeze %dma_wait3A_525 : memref<1x80xi32, #tpu.memory_space<vmem>> -> memref<80xi32, #tpu.memory_space<vmem>>
      %dma_wait3A_527 = arith.constant 0 : i32
      %dma_wait3A_528 = tpu.memref_slice %arg7[%dma_wait3A_527] : memref<10240xf32, #tpu.memory_space<vmem_shared>> -> memref<10240xf32, #tpu.memory_space<vmem_shared>>
      tpu.wait_indirect_dma semaphore(%arg15 : memref<!tpu.dma_semaphore, #tpu.memory_space<semaphore_mem>>) src(%dma_wait3A_523 : memref<80xf32, #tpu.memory_space<vmem>>) dst(%dma_wait3A_528 : memref<10240xf32, #tpu.memory_space<vmem_shared>>)
      %get3A_529 = arith.constant 0 : i32
      %get3A_530 = tpu.memref_slice %arg8[%add3A_518, %get3A_529] : memref<128x80xi32, #tpu.memory_space<vmem>> -> memref<1x80xi32, #tpu.memory_space<vmem>>
      %get3A_531 = tpu.memref_squeeze %get3A_530 : memref<1x80xi32, #tpu.memory_space<vmem>> -> memref<80xi32, #tpu.memory_space<vmem>>
      %get3A_532 = arith.constant 0 : index
      %get3A_533 = tpu.vector_load %get3A_531[%get3A_532] {strides = array<i32>} : memref<80xi32, #tpu.memory_space<vmem>>, vector<16xi32>,
      %gather3A_534 = tpu.vector_load_idx %arg11[%get3A_533] : memref<10240xf32, #tpu.memory_space<vmem>>[vector<16xi32>], vector<16xf32>,
      %swap3A_535 = arith.constant 2 : i32
      %swap3A_536 = arith.constant 0 : i32
      %swap3A_537 = tpu.memref_slice %arg10[%swap3A_535, %swap3A_536] : memref<4x80xf32, #tpu.memory_space<vmem>> -> memref<1x80xf32, #tpu.memory_space<vmem>>
      %swap3A_538 = tpu.memref_squeeze %swap3A_537 : memref<1x80xf32, #tpu.memory_space<vmem>> -> memref<80xf32, #tpu.memory_space<vmem>>
      %swap3A_539 = arith.constant 0 : index
      %swap3A_540 = tpu.vector_load %swap3A_538[%swap3A_539] {strides = array<i32>} : memref<80xf32, #tpu.memory_space<vmem>>, vector<16xf32>,
      tpu.vector_store %swap3A_538[%swap3A_539], %gather3A_534 {strides = array<i32>} : memref<80xf32, #tpu.memory_space<vmem>>, vector<16xf32>,
      %get3A_541 = arith.constant 0 : i32
      %get3A_542 = tpu.memref_slice %arg8[%add3A_518, %get3A_541] : memref<128x80xi32, #tpu.memory_space<vmem>> -> memref<1x80xi32, #tpu.memory_space<vmem>>
      %get3A_543 = tpu.memref_squeeze %get3A_542 : memref<1x80xi32, #tpu.memory_space<vmem>> -> memref<80xi32, #tpu.memory_space<vmem>>
      %get3A_544 = arith.constant 16 : index
      %get3A_545 = tpu.vector_load %get3A_543[%get3A_544] {strides = array<i32>} : memref<80xi32, #tpu.memory_space<vmem>>, vector<16xi32>,
      %gather3A_546 = tpu.vector_load_idx %arg11[%get3A_545] : memref<10240xf32, #tpu.memory_space<vmem>>[vector<16xi32>], vector<16xf32>,
      %swap3A_547 = arith.constant 2 : i32
      %swap3A_548 = arith.constant 0 : i32
      %swap3A_549 = tpu.memref_slice %arg10[%swap3A_547, %swap3A_548] : memref<4x80xf32, #tpu.memory_space<vmem>> -> memref<1x80xf32, #tpu.memory_space<vmem>>
      %swap3A_550 = tpu.memref_squeeze %swap3A_549 : memref<1x80xf32, #tpu.memory_space<vmem>> -> memref<80xf32, #tpu.memory_space<vmem>>
      %swap3A_551 = arith.constant 16 : index
      %swap3A_552 = tpu.vector_load %swap3A_550[%swap3A_551] {strides = array<i32>} : memref<80xf32, #tpu.memory_space<vmem>>, vector<16xf32>,
      tpu.vector_store %swap3A_550[%swap3A_551], %gather3A_546 {strides = array<i32>} : memref<80xf32, #tpu.memory_space<vmem>>, vector<16xf32>,
      %get3A_553 = arith.constant 0 : i32
      %get3A_554 = tpu.memref_slice %arg8[%add3A_518, %get3A_553] : memref<128x80xi32, #tpu.memory_space<vmem>> -> memref<1x80xi32, #tpu.memory_space<vmem>>
      %get3A_555 = tpu.memref_squeeze %get3A_554 : memref<1x80xi32, #tpu.memory_space<vmem>> -> memref<80xi32, #tpu.memory_space<vmem>>
      %get3A_556 = arith.constant 32 : index
      %get3A_557 = tpu.vector_load %get3A_555[%get3A_556] {strides = array<i32>} : memref<80xi32, #tpu.memory_space<vmem>>, vector<16xi32>,
      %gather3A_558 = tpu.vector_load_idx %arg11[%get3A_557] : memref<10240xf32, #tpu.memory_space<vmem>>[vector<16xi32>], vector<16xf32>,
      %swap3A_559 = arith.constant 2 : i32
      %swap3A_560 = arith.constant 0 : i32
      %swap3A_561 = tpu.memref_slice %arg10[%swap3A_559, %swap3A_560] : memref<4x80xf32, #tpu.memory_space<vmem>> -> memref<1x80xf32, #tpu.memory_space<vmem>>
      %swap3A_562 = tpu.memref_squeeze %swap3A_561 : memref<1x80xf32, #tpu.memory_space<vmem>> -> memref<80xf32, #tpu.memory_space<vmem>>
      %swap3A_563 = arith.constant 32 : index
      %swap3A_564 = tpu.vector_load %swap3A_562[%swap3A_563] {strides = array<i32>} : memref<80xf32, #tpu.memory_space<vmem>>, vector<16xf32>,
      tpu.vector_store %swap3A_562[%swap3A_563], %gather3A_558 {strides = array<i32>} : memref<80xf32, #tpu.memory_space<vmem>>, vector<16xf32>,
      %get3A_565 = arith.constant 0 : i32
      %get3A_566 = tpu.memref_slice %arg8[%add3A_518, %get3A_565] : memref<128x80xi32, #tpu.memory_space<vmem>> -> memref<1x80xi32, #tpu.memory_space<vmem>>
      %get3A_567 = tpu.memref_squeeze %get3A_566 : memref<1x80xi32, #tpu.memory_space<vmem>> -> memref<80xi32, #tpu.memory_space<vmem>>
      %get3A_568 = arith.constant 48 : index
      %get3A_569 = tpu.vector_load %get3A_567[%get3A_568] {strides = array<i32>} : memref<80xi32, #tpu.memory_space<vmem>>, vector<16xi32>,
      %gather3A_570 = tpu.vector_load_idx %arg11[%get3A_569] : memref<10240xf32, #tpu.memory_space<vmem>>[vector<16xi32>], vector<16xf32>,
      %swap3A_571 = arith.constant 2 : i32
      %swap3A_572 = arith.constant 0 : i32
      %swap3A_573 = tpu.memref_slice %arg10[%swap3A_571, %swap3A_572] : memref<4x80xf32, #tpu.memory_space<vmem>> -> memref<1x80xf32, #tpu.memory_space<vmem>>
      %swap3A_574 = tpu.memref_squeeze %swap3A_573 : memref<1x80xf32, #tpu.memory_space<vmem>> -> memref<80xf32, #tpu.memory_space<vmem>>
      %swap3A_575 = arith.constant 48 : index
      %swap3A_576 = tpu.vector_load %swap3A_574[%swap3A_575] {strides = array<i32>} : memref<80xf32, #tpu.memory_space<vmem>>, vector<16xf32>,
      tpu.vector_store %swap3A_574[%swap3A_575], %gather3A_570 {strides = array<i32>} : memref<80xf32, #tpu.memory_space<vmem>>, vector<16xf32>,
      %get3A_577 = arith.constant 0 : i32
      %get3A_578 = tpu.memref_slice %arg8[%add3A_518, %get3A_577] : memref<128x80xi32, #tpu.memory_space<vmem>> -> memref<1x80xi32, #tpu.memory_space<vmem>>
      %get3A_579 = tpu.memref_squeeze %get3A_578 : memref<1x80xi32, #tpu.memory_space<vmem>> -> memref<80xi32, #tpu.memory_space<vmem>>
      %get3A_580 = arith.constant 64 : index
      %get3A_581 = tpu.vector_load %get3A_579[%get3A_580] {strides = array<i32>} : memref<80xi32, #tpu.memory_space<vmem>>, vector<16xi32>,
      %gather3A_582 = tpu.vector_load_idx %arg11[%get3A_581] : memref<10240xf32, #tpu.memory_space<vmem>>[vector<16xi32>], vector<16xf32>,
      %swap3A_583 = arith.constant 2 : i32
      %swap3A_584 = arith.constant 0 : i32
      %swap3A_585 = tpu.memref_slice %arg10[%swap3A_583, %swap3A_584] : memref<4x80xf32, #tpu.memory_space<vmem>> -> memref<1x80xf32, #tpu.memory_space<vmem>>
      %swap3A_586 = tpu.memref_squeeze %swap3A_585 : memref<1x80xf32, #tpu.memory_space<vmem>> -> memref<80xf32, #tpu.memory_space<vmem>>
      %swap3A_587 = arith.constant 64 : index
      %swap3A_588 = tpu.vector_load %swap3A_586[%swap3A_587] {strides = array<i32>} : memref<80xf32, #tpu.memory_space<vmem>>, vector<16xf32>,
      tpu.vector_store %swap3A_586[%swap3A_587], %gather3A_582 {strides = array<i32>} : memref<80xf32, #tpu.memory_space<vmem>>, vector<16xf32>,
      %dma_start3A_589 = arith.constant 2 : i32
      %dma_start3A_590 = arith.constant 0 : i32
      %dma_start3A_591 = tpu.memref_slice %arg10[%dma_start3A_589, %dma_start3A_590] : memref<4x80xf32, #tpu.memory_space<vmem>> -> memref<1x80xf32, #tpu.memory_space<vmem>>
      %dma_start3A_592 = tpu.memref_squeeze %dma_start3A_591 : memref<1x80xf32, #tpu.memory_space<vmem>> -> memref<80xf32, #tpu.memory_space<vmem>>
      %dma_start3A_593 = arith.constant 0 : i32
      %dma_start3A_594 = tpu.memref_slice %arg9[%add3A_518, %dma_start3A_593] : memref<128x80xi32, #tpu.memory_space<vmem>> -> memref<1x80xi32, #tpu.memory_space<vmem>>
      %dma_start3A_595 = tpu.memref_squeeze %dma_start3A_594 : memref<1x80xi32, #tpu.memory_space<vmem>> -> memref<80xi32, #tpu.memory_space<vmem>>
      %dma_start3A_596 = arith.constant 0 : i32
      %dma_start3A_597 = tpu.memref_slice %arg7[%dma_start3A_596] : memref<10240xf32, #tpu.memory_space<vmem_shared>> -> memref<10240xf32, #tpu.memory_space<vmem_shared>>
      tpu.enqueue_indirect_dma source(%dma_start3A_592 : memref<80xf32, #tpu.memory_space<vmem>>) target(%dma_start3A_597 : memref<10240xf32, #tpu.memory_space<vmem_shared>>) offsets(%dma_start3A_595 : memref<80xi32, #tpu.memory_space<vmem>>) semaphore(%arg15 : memref<!tpu.dma_semaphore, #tpu.memory_space<semaphore_mem>>) {add = true}
      %mul3A_598 = arith.constant 4 : i32
      %mul3A_599 = arith.muli %scan3A_348, %mul3A_598 : i32
      %add3A_600 = arith.constant 3 : i32
      %add3A_601 = arith.addi %mul3A_599, %add3A_600 : i32
      %dma_wait3A_602 = arith.constant 3 : i32
      %dma_wait3A_603 = arith.constant 0 : i32
      %dma_wait3A_604 = arith.constant 0 : i32
      %dma_wait3A_605 = tpu.memref_slice %arg10[%dma_wait3A_602, %dma_wait3A_604] : memref<4x80xf32, #tpu.memory_space<vmem>> -> memref<1x80xf32, #tpu.memory_space<vmem>>
      %dma_wait3A_606 = tpu.memref_squeeze %dma_wait3A_605 : memref<1x80xf32, #tpu.memory_space<vmem>> -> memref<80xf32, #tpu.memory_space<vmem>>
      %dma_wait3A_607 = arith.constant 0 : i32
      %dma_wait3A_608 = tpu.memref_slice %arg9[%dma_wait3A_603, %dma_wait3A_607] : memref<128x80xi32, #tpu.memory_space<vmem>> -> memref<1x80xi32, #tpu.memory_space<vmem>>
      %dma_wait3A_609 = tpu.memref_squeeze %dma_wait3A_608 : memref<1x80xi32, #tpu.memory_space<vmem>> -> memref<80xi32, #tpu.memory_space<vmem>>
      %dma_wait3A_610 = arith.constant 0 : i32
      %dma_wait3A_611 = tpu.memref_slice %arg7[%dma_wait3A_610] : memref<10240xf32, #tpu.memory_space<vmem_shared>> -> memref<10240xf32, #tpu.memory_space<vmem_shared>>
      tpu.wait_indirect_dma semaphore(%arg16 : memref<!tpu.dma_semaphore, #tpu.memory_space<semaphore_mem>>) src(%dma_wait3A_606 : memref<80xf32, #tpu.memory_space<vmem>>) dst(%dma_wait3A_611 : memref<10240xf32, #tpu.memory_space<vmem_shared>>)
      %get3A_612 = arith.constant 0 : i32
      %get3A_613 = tpu.memref_slice %arg8[%add3A_601, %get3A_612] : memref<128x80xi32, #tpu.memory_space<vmem>> -> memref<1x80xi32, #tpu.memory_space<vmem>>
      %get3A_614 = tpu.memref_squeeze %get3A_613 : memref<1x80xi32, #tpu.memory_space<vmem>> -> memref<80xi32, #tpu.memory_space<vmem>>
      %get3A_615 = arith.constant 0 : index
      %get3A_616 = tpu.vector_load %get3A_614[%get3A_615] {strides = array<i32>} : memref<80xi32, #tpu.memory_space<vmem>>, vector<16xi32>,
      %gather3A_617 = tpu.vector_load_idx %arg11[%get3A_616] : memref<10240xf32, #tpu.memory_space<vmem>>[vector<16xi32>], vector<16xf32>,
      %swap3A_618 = arith.constant 3 : i32
      %swap3A_619 = arith.constant 0 : i32
      %swap3A_620 = tpu.memref_slice %arg10[%swap3A_618, %swap3A_619] : memref<4x80xf32, #tpu.memory_space<vmem>> -> memref<1x80xf32, #tpu.memory_space<vmem>>
      %swap3A_621 = tpu.memref_squeeze %swap3A_620 : memref<1x80xf32, #tpu.memory_space<vmem>> -> memref<80xf32, #tpu.memory_space<vmem>>
      %swap3A_622 = arith.constant 0 : index
      %swap3A_623 = tpu.vector_load %swap3A_621[%swap3A_622] {strides = array<i32>} : memref<80xf32, #tpu.memory_space<vmem>>, vector<16xf32>,
      tpu.vector_store %swap3A_621[%swap3A_622], %gather3A_617 {strides = array<i32>} : memref<80xf32, #tpu.memory_space<vmem>>, vector<16xf32>,
      %get3A_624 = arith.constant 0 : i32
      %get3A_625 = tpu.memref_slice %arg8[%add3A_601, %get3A_624] : memref<128x80xi32, #tpu.memory_space<vmem>> -> memref<1x80xi32, #tpu.memory_space<vmem>>
      %get3A_626 = tpu.memref_squeeze %get3A_625 : memref<1x80xi32, #tpu.memory_space<vmem>> -> memref<80xi32, #tpu.memory_space<vmem>>
      %get3A_627 = arith.constant 16 : index
      %get3A_628 = tpu.vector_load %get3A_626[%get3A_627] {strides = array<i32>} : memref<80xi32, #tpu.memory_space<vmem>>, vector<16xi32>,
      %gather3A_629 = tpu.vector_load_idx %arg11[%get3A_628] : memref<10240xf32, #tpu.memory_space<vmem>>[vector<16xi32>], vector<16xf32>,
      %swap3A_630 = arith.constant 3 : i32
      %swap3A_631 = arith.constant 0 : i32
      %swap3A_632 = tpu.memref_slice %arg10[%swap3A_630, %swap3A_631] : memref<4x80xf32, #tpu.memory_space<vmem>> -> memref<1x80xf32, #tpu.memory_space<vmem>>
      %swap3A_633 = tpu.memref_squeeze %swap3A_632 : memref<1x80xf32, #tpu.memory_space<vmem>> -> memref<80xf32, #tpu.memory_space<vmem>>
      %swap3A_634 = arith.constant 16 : index
      %swap3A_635 = tpu.vector_load %swap3A_633[%swap3A_634] {strides = array<i32>} : memref<80xf32, #tpu.memory_space<vmem>>, vector<16xf32>,
      tpu.vector_store %swap3A_633[%swap3A_634], %gather3A_629 {strides = array<i32>} : memref<80xf32, #tpu.memory_space<vmem>>, vector<16xf32>,
      %get3A_636 = arith.constant 0 : i32
      %get3A_637 = tpu.memref_slice %arg8[%add3A_601, %get3A_636] : memref<128x80xi32, #tpu.memory_space<vmem>> -> memref<1x80xi32, #tpu.memory_space<vmem>>
      %get3A_638 = tpu.memref_squeeze %get3A_637 : memref<1x80xi32, #tpu.memory_space<vmem>> -> memref<80xi32, #tpu.memory_space<vmem>>
      %get3A_639 = arith.constant 32 : index
      %get3A_640 = tpu.vector_load %get3A_638[%get3A_639] {strides = array<i32>} : memref<80xi32, #tpu.memory_space<vmem>>, vector<16xi32>,
      %gather3A_641 = tpu.vector_load_idx %arg11[%get3A_640] : memref<10240xf32, #tpu.memory_space<vmem>>[vector<16xi32>], vector<16xf32>,
      %swap3A_642 = arith.constant 3 : i32
      %swap3A_643 = arith.constant 0 : i32
      %swap3A_644 = tpu.memref_slice %arg10[%swap3A_642, %swap3A_643] : memref<4x80xf32, #tpu.memory_space<vmem>> -> memref<1x80xf32, #tpu.memory_space<vmem>>
      %swap3A_645 = tpu.memref_squeeze %swap3A_644 : memref<1x80xf32, #tpu.memory_space<vmem>> -> memref<80xf32, #tpu.memory_space<vmem>>
      %swap3A_646 = arith.constant 32 : index
      %swap3A_647 = tpu.vector_load %swap3A_645[%swap3A_646] {strides = array<i32>} : memref<80xf32, #tpu.memory_space<vmem>>, vector<16xf32>,
      tpu.vector_store %swap3A_645[%swap3A_646], %gather3A_641 {strides = array<i32>} : memref<80xf32, #tpu.memory_space<vmem>>, vector<16xf32>,
      %get3A_648 = arith.constant 0 : i32
      %get3A_649 = tpu.memref_slice %arg8[%add3A_601, %get3A_648] : memref<128x80xi32, #tpu.memory_space<vmem>> -> memref<1x80xi32, #tpu.memory_space<vmem>>
      %get3A_650 = tpu.memref_squeeze %get3A_649 : memref<1x80xi32, #tpu.memory_space<vmem>> -> memref<80xi32, #tpu.memory_space<vmem>>
      %get3A_651 = arith.constant 48 : index
      %get3A_652 = tpu.vector_load %get3A_650[%get3A_651] {strides = array<i32>} : memref<80xi32, #tpu.memory_space<vmem>>, vector<16xi32>,
      %gather3A_653 = tpu.vector_load_idx %arg11[%get3A_652] : memref<10240xf32, #tpu.memory_space<vmem>>[vector<16xi32>], vector<16xf32>,
      %swap3A_654 = arith.constant 3 : i32
      %swap3A_655 = arith.constant 0 : i32
      %swap3A_656 = tpu.memref_slice %arg10[%swap3A_654, %swap3A_655] : memref<4x80xf32, #tpu.memory_space<vmem>> -> memref<1x80xf32, #tpu.memory_space<vmem>>
      %swap3A_657 = tpu.memref_squeeze %swap3A_656 : memref<1x80xf32, #tpu.memory_space<vmem>> -> memref<80xf32, #tpu.memory_space<vmem>>
      %swap3A_658 = arith.constant 48 : index
      %swap3A_659 = tpu.vector_load %swap3A_657[%swap3A_658] {strides = array<i32>} : memref<80xf32, #tpu.memory_space<vmem>>, vector<16xf32>,
      tpu.vector_store %swap3A_657[%swap3A_658], %gather3A_653 {strides = array<i32>} : memref<80xf32, #tpu.memory_space<vmem>>, vector<16xf32>,
      %get3A_660 = arith.constant 0 : i32
      %get3A_661 = tpu.memref_slice %arg8[%add3A_601, %get3A_660] : memref<128x80xi32, #tpu.memory_space<vmem>> -> memref<1x80xi32, #tpu.memory_space<vmem>>
      %get3A_662 = tpu.memref_squeeze %get3A_661 : memref<1x80xi32, #tpu.memory_space<vmem>> -> memref<80xi32, #tpu.memory_space<vmem>>
      %get3A_663 = arith.constant 64 : index
      %get3A_664 = tpu.vector_load %get3A_662[%get3A_663] {strides = array<i32>} : memref<80xi32, #tpu.memory_space<vmem>>, vector<16xi32>,
      %gather3A_665 = tpu.vector_load_idx %arg11[%get3A_664] : memref<10240xf32, #tpu.memory_space<vmem>>[vector<16xi32>], vector<16xf32>,
      %swap3A_666 = arith.constant 3 : i32
      %swap3A_667 = arith.constant 0 : i32
      %swap3A_668 = tpu.memref_slice %arg10[%swap3A_666, %swap3A_667] : memref<4x80xf32, #tpu.memory_space<vmem>> -> memref<1x80xf32, #tpu.memory_space<vmem>>
      %swap3A_669 = tpu.memref_squeeze %swap3A_668 : memref<1x80xf32, #tpu.memory_space<vmem>> -> memref<80xf32, #tpu.memory_space<vmem>>
      %swap3A_670 = arith.constant 64 : index
      %swap3A_671 = tpu.vector_load %swap3A_669[%swap3A_670] {strides = array<i32>} : memref<80xf32, #tpu.memory_space<vmem>>, vector<16xf32>,
      tpu.vector_store %swap3A_669[%swap3A_670], %gather3A_665 {strides = array<i32>} : memref<80xf32, #tpu.memory_space<vmem>>, vector<16xf32>,
      %dma_start3A_672 = arith.constant 3 : i32
      %dma_start3A_673 = arith.constant 0 : i32
      %dma_start3A_674 = tpu.memref_slice %arg10[%dma_start3A_672, %dma_start3A_673] : memref<4x80xf32, #tpu.memory_space<vmem>> -> memref<1x80xf32, #tpu.memory_space<vmem>>
      %dma_start3A_675 = tpu.memref_squeeze %dma_start3A_674 : memref<1x80xf32, #tpu.memory_space<vmem>> -> memref<80xf32, #tpu.memory_space<vmem>>
      %dma_start3A_676 = arith.constant 0 : i32
      %dma_start3A_677 = tpu.memref_slice %arg9[%add3A_601, %dma_start3A_676] : memref<128x80xi32, #tpu.memory_space<vmem>> -> memref<1x80xi32, #tpu.memory_space<vmem>>
      %dma_start3A_678 = tpu.memref_squeeze %dma_start3A_677 : memref<1x80xi32, #tpu.memory_space<vmem>> -> memref<80xi32, #tpu.memory_space<vmem>>
      %dma_start3A_679 = arith.constant 0 : i32
      %dma_start3A_680 = tpu.memref_slice %arg7[%dma_start3A_679] : memref<10240xf32, #tpu.memory_space<vmem_shared>> -> memref<10240xf32, #tpu.memory_space<vmem_shared>>
      tpu.enqueue_indirect_dma source(%dma_start3A_675 : memref<80xf32, #tpu.memory_space<vmem>>) target(%dma_start3A_680 : memref<10240xf32, #tpu.memory_space<vmem_shared>>) offsets(%dma_start3A_678 : memref<80xi32, #tpu.memory_space<vmem>>) semaphore(%arg16 : memref<!tpu.dma_semaphore, #tpu.memory_space<semaphore_mem>>) {add = true}
    }
    %scan3A_303 = arith.constant 31 : i32
    %dma_wait3A = arith.constant 0 : i32
    %dma_wait3A_304 = arith.constant 0 : i32
    %dma_wait3A_305 = arith.constant 0 : i32
    %dma_wait3A_306 = tpu.memref_slice %arg10[%dma_wait3A, %dma_wait3A_305] : memref<4x80xf32, #tpu.memory_space<vmem>> -> memref<1x80xf32, #tpu.memory_space<vmem>>
    %dma_wait3A_307 = tpu.memref_squeeze %dma_wait3A_306 : memref<1x80xf32, #tpu.memory_space<vmem>> -> memref<80xf32, #tpu.memory_space<vmem>>
    %dma_wait3A_308 = arith.constant 0 : i32
    %dma_wait3A_309 = tpu.memref_slice %arg9[%dma_wait3A_304, %dma_wait3A_308] : memref<128x80xi32, #tpu.memory_space<vmem>> -> memref<1x80xi32, #tpu.memory_space<vmem>>
    %dma_wait3A_310 = tpu.memref_squeeze %dma_wait3A_309 : memref<1x80xi32, #tpu.memory_space<vmem>> -> memref<80xi32, #tpu.memory_space<vmem>>
    %dma_wait3A_311 = arith.constant 0 : i32
    %dma_wait3A_312 = tpu.memref_slice %arg7[%dma_wait3A_311] : memref<10240xf32, #tpu.memory_space<vmem_shared>> -> memref<10240xf32, #tpu.memory_space<vmem_shared>>
    tpu.wait_indirect_dma semaphore(%arg13 : memref<!tpu.dma_semaphore, #tpu.memory_space<semaphore_mem>>) src(%dma_wait3A_307 : memref<80xf32, #tpu.memory_space<vmem>>) dst(%dma_wait3A_312 : memref<10240xf32, #tpu.memory_space<vmem_shared>>)
    %dma_wait3A_313 = arith.constant 1 : i32
    %dma_wait3A_314 = arith.constant 0 : i32
    %dma_wait3A_315 = arith.constant 0 : i32
    %dma_wait3A_316 = tpu.memref_slice %arg10[%dma_wait3A_313, %dma_wait3A_315] : memref<4x80xf32, #tpu.memory_space<vmem>> -> memref<1x80xf32, #tpu.memory_space<vmem>>
    %dma_wait3A_317 = tpu.memref_squeeze %dma_wait3A_316 : memref<1x80xf32, #tpu.memory_space<vmem>> -> memref<80xf32, #tpu.memory_space<vmem>>
    %dma_wait3A_318 = arith.constant 0 : i32
    %dma_wait3A_319 = tpu.memref_slice %arg9[%dma_wait3A_314, %dma_wait3A_318] : memref<128x80xi32, #tpu.memory_space<vmem>> -> memref<1x80xi32, #tpu.memory_space<vmem>>
    %dma_wait3A_320 = tpu.memref_squeeze %dma_wait3A_319 : memref<1x80xi32, #tpu.memory_space<vmem>> -> memref<80xi32, #tpu.memory_space<vmem>>
    %dma_wait3A_321 = arith.constant 0 : i32
    %dma_wait3A_322 = tpu.memref_slice %arg7[%dma_wait3A_321] : memref<10240xf32, #tpu.memory_space<vmem_shared>> -> memref<10240xf32, #tpu.memory_space<vmem_shared>>
    tpu.wait_indirect_dma semaphore(%arg14 : memref<!tpu.dma_semaphore, #tpu.memory_space<semaphore_mem>>) src(%dma_wait3A_317 : memref<80xf32, #tpu.memory_space<vmem>>) dst(%dma_wait3A_322 : memref<10240xf32, #tpu.memory_space<vmem_shared>>)
    %dma_wait3A_323 = arith.constant 2 : i32
    %dma_wait3A_324 = arith.constant 0 : i32
    %dma_wait3A_325 = arith.constant 0 : i32
    %dma_wait3A_326 = tpu.memref_slice %arg10[%dma_wait3A_323, %dma_wait3A_325] : memref<4x80xf32, #tpu.memory_space<vmem>> -> memref<1x80xf32, #tpu.memory_space<vmem>>
    %dma_wait3A_327 = tpu.memref_squeeze %dma_wait3A_326 : memref<1x80xf32, #tpu.memory_space<vmem>> -> memref<80xf32, #tpu.memory_space<vmem>>
    %dma_wait3A_328 = arith.constant 0 : i32
    %dma_wait3A_329 = tpu.memref_slice %arg9[%dma_wait3A_324, %dma_wait3A_328] : memref<128x80xi32, #tpu.memory_space<vmem>> -> memref<1x80xi32, #tpu.memory_space<vmem>>
    %dma_wait3A_330 = tpu.memref_squeeze %dma_wait3A_329 : memref<1x80xi32, #tpu.memory_space<vmem>> -> memref<80xi32, #tpu.memory_space<vmem>>
    %dma_wait3A_331 = arith.constant 0 : i32
    %dma_wait3A_332 = tpu.memref_slice %arg7[%dma_wait3A_331] : memref<10240xf32, #tpu.memory_space<vmem_shared>> -> memref<10240xf32, #tpu.memory_space<vmem_shared>>
    tpu.wait_indirect_dma semaphore(%arg15 : memref<!tpu.dma_semaphore, #tpu.memory_space<semaphore_mem>>) src(%dma_wait3A_327 : memref<80xf32, #tpu.memory_space<vmem>>) dst(%dma_wait3A_332 : memref<10240xf32, #tpu.memory_space<vmem_shared>>)
    %dma_wait3A_333 = arith.constant 3 : i32
    %dma_wait3A_334 = arith.constant 0 : i32
    %dma_wait3A_335 = arith.constant 0 : i32
    %dma_wait3A_336 = tpu.memref_slice %arg10[%dma_wait3A_333, %dma_wait3A_335] : memref<4x80xf32, #tpu.memory_space<vmem>> -> memref<1x80xf32, #tpu.memory_space<vmem>>
    %dma_wait3A_337 = tpu.memref_squeeze %dma_wait3A_336 : memref<1x80xf32, #tpu.memory_space<vmem>> -> memref<80xf32, #tpu.memory_space<vmem>>
    %dma_wait3A_338 = arith.constant 0 : i32
    %dma_wait3A_339 = tpu.memref_slice %arg9[%dma_wait3A_334, %dma_wait3A_338] : memref<128x80xi32, #tpu.memory_space<vmem>> -> memref<1x80xi32, #tpu.memory_space<vmem>>
    %dma_wait3A_340 = tpu.memref_squeeze %dma_wait3A_339 : memref<1x80xi32, #tpu.memory_space<vmem>> -> memref<80xi32, #tpu.memory_space<vmem>>
    %dma_wait3A_341 = arith.constant 0 : i32
    %dma_wait3A_342 = tpu.memref_slice %arg7[%dma_wait3A_341] : memref<10240xf32, #tpu.memory_space<vmem_shared>> -> memref<10240xf32, #tpu.memory_space<vmem_shared>>
    tpu.wait_indirect_dma semaphore(%arg16 : memref<!tpu.dma_semaphore, #tpu.memory_space<semaphore_mem>>) src(%dma_wait3A_337 : memref<80xf32, #tpu.memory_space<vmem>>) dst(%dma_wait3A_342 : memref<10240xf32, #tpu.memory_space<vmem_shared>>)
    %barrier3A_343 = arith.constant 0 : index
    tpu.barrier barrier_id(%barrier3A_343)
    %mul3A_344 = arith.constant 640 : i32
    %mul3A_345 = arith.muli %arg1, %mul3A_344 : i32
    "tpu.region"() ({
      %run_scoped3A = tpu.sem_alloc : memref<!tpu.dma_semaphore, #tpu.memory_space<semaphore_mem>>
      %dma_start3A_348 = tpu.memref_slice %arg7[%mul3A_345] : memref<10240xf32, #tpu.memory_space<vmem_shared>> -> memref<640xf32, #tpu.memory_space<vmem_shared>>
      %dma_start3A_349 = tpu.memref_slice %arg7[%mul3A_345] : memref<10240xf32, #tpu.memory_space<vmem_shared>> -> memref<640xf32, #tpu.memory_space<vmem_shared>>
      tpu.enqueue_dma source(%dma_start3A_349 : memref<640xf32, #tpu.memory_space<vmem_shared>>) target(%arg12 : memref<640xf32, #tpu.memory_space<vmem>>) target_semaphore(%run_scoped3A : memref<!tpu.dma_semaphore, #tpu.memory_space<semaphore_mem>>)
      %dma_wait3A_350 = tpu.memref_slice %arg7[%mul3A_345] : memref<10240xf32, #tpu.memory_space<vmem_shared>> -> memref<640xf32, #tpu.memory_space<vmem_shared>>
      %dma_wait3A_351 = tpu.memref_slice %arg7[%mul3A_345] : memref<10240xf32, #tpu.memory_space<vmem_shared>> -> memref<640xf32, #tpu.memory_space<vmem_shared>>
      tpu.wait_dma2 semaphore(%run_scoped3A : memref<!tpu.dma_semaphore, #tpu.memory_space<semaphore_mem>>) src(%dma_wait3A_351 : memref<640xf32, #tpu.memory_space<vmem_shared>>) dst(%arg12 : memref<640xf32, #tpu.memory_space<vmem>>)
      tpu.yield
    }) : () -> ()
    %mul3A_346 = arith.constant 640 : i32
    %mul3A_347 = arith.muli %arg1, %mul3A_346 : i32
    "tpu.region"() ({
      %run_scoped3A = tpu.sem_alloc : memref<!tpu.dma_semaphore, #tpu.memory_space<semaphore_mem>>
      %dma_start3A_348 = tpu.memref_slice %arg6[%arg0, %mul3A_347] : memref<2x10240xf32, #tpu.memory_space<hbm>> -> memref<1x640xf32, #tpu.memory_space<hbm>>
      %dma_start3A_349 = tpu.memref_squeeze %dma_start3A_348 : memref<1x640xf32, #tpu.memory_space<hbm>> -> memref<640xf32, #tpu.memory_space<hbm>>
      %dma_start3A_350 = tpu.memref_slice %arg6[%arg0, %mul3A_347] : memref<2x10240xf32, #tpu.memory_space<hbm>> -> memref<1x640xf32, #tpu.memory_space<hbm>>
      %dma_start3A_351 = tpu.memref_squeeze %dma_start3A_350 : memref<1x640xf32, #tpu.memory_space<hbm>> -> memref<640xf32, #tpu.memory_space<hbm>>
      tpu.enqueue_dma source(%arg12 : memref<640xf32, #tpu.memory_space<vmem>>) target(%dma_start3A_351 : memref<640xf32, #tpu.memory_space<hbm>>) target_semaphore(%run_scoped3A : memref<!tpu.dma_semaphore, #tpu.memory_space<semaphore_mem>>)
      %dma_wait3A_352 = tpu.memref_slice %arg6[%arg0, %mul3A_347] : memref<2x10240xf32, #tpu.memory_space<hbm>> -> memref<1x640xf32, #tpu.memory_space<hbm>>
      %dma_wait3A_353 = tpu.memref_squeeze %dma_wait3A_352 : memref<1x640xf32, #tpu.memory_space<hbm>> -> memref<640xf32, #tpu.memory_space<hbm>>
      %dma_wait3A_354 = tpu.memref_slice %arg6[%arg0, %mul3A_347] : memref<2x10240xf32, #tpu.memory_space<hbm>> -> memref<1x640xf32, #tpu.memory_space<hbm>>
      %dma_wait3A_355 = tpu.memref_squeeze %dma_wait3A_354 : memref<1x640xf32, #tpu.memory_space<hbm>> -> memref<640xf32, #tpu.memory_space<hbm>>
      tpu.wait_dma2 semaphore(%run_scoped3A : memref<!tpu.dma_semaphore, #tpu.memory_space<semaphore_mem>>) src(%arg12 : memref<640xf32, #tpu.memory_space<vmem>>) dst(%dma_wait3A_355 : memref<640xf32, #tpu.memory_space<hbm>>)
      tpu.yield
    }) : () -> ()
    return
  }
}

module attributes {stable_mosaic.version = 14 : i64} {
  func.func @_proj1_body(%arg0: memref<10000x128xf32, #tpu.memory_space<vmem>>, %arg1: memref<64x128xf32, #tpu.memory_space<vmem>>, %arg2: memref<64x128xf32, #tpu.memory_space<vmem>>, %arg3: memref<10000x64xf32, #tpu.memory_space<vmem>>, %arg4: memref<10000x64xf32, #tpu.memory_space<vmem>>) attributes {dimension_semantics = [], scalar_prefetch = 0 : i64, scratch_operands = 0 : i64, tpu.core_type = #tpu.core_type<tc>} {
    %get3A = arith.constant 0 : index
    %get3A_0 = arith.constant 0 : index
    %get3A_1 = vector.load %arg0[%get3A, %get3A_0] : memref<10000x128xf32, #tpu.memory_space<vmem>>, vector<10000x128xf32>
    %get3A_2 = arith.constant 0 : index
    %get3A_3 = arith.constant 0 : index
    %get3A_4 = vector.load %arg1[%get3A_2, %get3A_3] : memref<64x128xf32, #tpu.memory_space<vmem>>, vector<64x128xf32>
    %dot_general3A = arith.constant dense<0.000000e+00> : vector<10000x64xf32>
    %dot_general3A_5 = tpu.matmul %get3A_1, %get3A_4, %dot_general3A {dimension_numbers = #tpu.dot_dimension_numbers<[1], [1], [0], [0], [0, 0, 1, 0], [], []>, transpose_lhs_hint = false} : vector<10000x128xf32>, vector<64x128xf32>, vector<10000x64xf32> -> vector<10000x64xf32>
    %swap3A = arith.constant 0 : index
    %swap3A_6 = arith.constant 0 : index
    %swap3A_7 = vector.load %arg3[%swap3A, %swap3A_6] : memref<10000x64xf32, #tpu.memory_space<vmem>>, vector<10000x64xf32>
    tpu.vector_store %arg3[%swap3A, %swap3A_6], %dot_general3A_5 {strides = array<i32>} : memref<10000x64xf32, #tpu.memory_space<vmem>>, vector<10000x64xf32>,
    %get3A_8 = arith.constant 0 : index
    %get3A_9 = arith.constant 0 : index
    %get3A_10 = vector.load %arg2[%get3A_8, %get3A_9] : memref<64x128xf32, #tpu.memory_space<vmem>>, vector<64x128xf32>
    %dot_general3A_11 = arith.constant dense<0.000000e+00> : vector<10000x64xf32>
    %dot_general3A_12 = tpu.matmul %get3A_1, %get3A_10, %dot_general3A_11 {dimension_numbers = #tpu.dot_dimension_numbers<[1], [1], [0], [0], [0, 0, 1, 0], [], []>, transpose_lhs_hint = false} : vector<10000x128xf32>, vector<64x128xf32>, vector<10000x64xf32> -> vector<10000x64xf32>
    %swap3A_13 = arith.constant 0 : index
    %swap3A_14 = arith.constant 0 : index
    %swap3A_15 = vector.load %arg4[%swap3A_13, %swap3A_14] : memref<10000x64xf32, #tpu.memory_space<vmem>>, vector<10000x64xf32>
    tpu.vector_store %arg4[%swap3A_13, %swap3A_14], %dot_general3A_12 {strides = array<i32>} : memref<10000x64xf32, #tpu.memory_space<vmem>>, vector<10000x64xf32>,
    return
  }
}

module attributes {stable_mosaic.version = 14 : i64} {
  func.func @_out_body(%arg0: memref<2x10240xf32, #tpu.memory_space<vmem>>, %arg1: memref<2x10240xf32, #tpu.memory_space<vmem>>, %arg2: memref<10000xf32, #tpu.memory_space<vmem>>, %arg3: memref<1xf32, #tpu.memory_space<vmem>>, %arg4: memref<10000x1xf32, #tpu.memory_space<vmem>>) attributes {dimension_semantics = [], scalar_prefetch = 0 : i64, scratch_operands = 0 : i64, tpu.core_type = #tpu.core_type<tc>} {
    %get3A = arith.constant 0 : index
    %get3A_0 = arith.constant 0 : index
    %get3A_1 = vector.load %arg1[%get3A, %get3A_0] : memref<2x10240xf32, #tpu.memory_space<vmem>>, vector<1x10000xf32>
    %get3A_2 = vector.shape_cast %get3A_1 : vector<1x10000xf32> to vector<10000xf32>
    %get3A_3 = arith.constant 1 : index
    %get3A_4 = arith.constant 0 : index
    %get3A_5 = vector.load %arg1[%get3A_3, %get3A_4] : memref<2x10240xf32, #tpu.memory_space<vmem>>, vector<1x10000xf32>
    %get3A_6 = vector.shape_cast %get3A_5 : vector<1x10000xf32> to vector<10000xf32>
    %add3A = arith.addf %get3A_2, %get3A_6 : vector<10000xf32>
    %max3A = arith.constant 1.000000e+00 : f32
    %max3A_7 = vector.broadcast %max3A : f32 to vector<10000xf32>
    %max3A_8 = arith.maximumf %add3A, %max3A_7 : vector<10000xf32>
    %div3A = arith.constant 1.000000e+00 : f32
    %div3A_9 = vector.broadcast %div3A : f32 to vector<10000xf32>
    %div3A_10 = arith.divf %div3A_9, %max3A_8 : vector<10000xf32>
    %get3A_11 = arith.constant 0 : index
    %get3A_12 = arith.constant 0 : index
    %get3A_13 = vector.load %arg0[%get3A_11, %get3A_12] : memref<2x10240xf32, #tpu.memory_space<vmem>>, vector<1x10000xf32>
    %get3A_14 = vector.shape_cast %get3A_13 : vector<1x10000xf32> to vector<10000xf32>
    %get3A_15 = arith.constant 1 : index
    %get3A_16 = arith.constant 0 : index
    %get3A_17 = vector.load %arg0[%get3A_15, %get3A_16] : memref<2x10240xf32, #tpu.memory_space<vmem>>, vector<1x10000xf32>
    %get3A_18 = vector.shape_cast %get3A_17 : vector<1x10000xf32> to vector<10000xf32>
    %add3A_19 = arith.addf %get3A_14, %get3A_18 : vector<10000xf32>
    %mul3A = arith.mulf %add3A_19, %div3A_10 : vector<10000xf32>
    %get3A_20 = arith.constant 0 : index
    %get3A_21 = vector.load %arg2[%get3A_20] : memref<10000xf32, #tpu.memory_space<vmem>>, vector<10000xf32>
    %add3A_22 = arith.addf %mul3A, %get3A_21 : vector<10000xf32>
    %get3A_23 = arith.constant 0 : index
    %get3A_24 = vector.load %arg3[%get3A_23] : memref<1xf32, #tpu.memory_space<vmem>>, vector<1xf32>
    %get3A_25 = vector.extract %get3A_24[0] : f32 from vector<1xf32>
    %add3A_26 = vector.broadcast %get3A_25 : f32 to vector<10000xf32>
    %add3A_27 = arith.addf %add3A_22, %add3A_26 : vector<10000xf32>
    %logistic3A = arith.negf %add3A_27 : vector<10000xf32>
    %logistic3A_28 = math.exp %logistic3A : vector<10000xf32>
    %logistic3A_29 = arith.constant 1.000000e+00 : f32
    %logistic3A_30 = vector.broadcast %logistic3A_29 : f32 to vector<10000xf32>
    %logistic3A_31 = arith.addf %logistic3A_30, %logistic3A_28 : vector<10000xf32>
    %logistic3A_32 = arith.divf %logistic3A_30, %logistic3A_31 : vector<10000xf32>
    %broadcast_in_dim3A = vector.shape_cast %logistic3A_32 : vector<10000xf32> to vector<10000x1xf32>
    %swap3A = arith.constant 0 : index
    %swap3A_33 = arith.constant 0 : index
    %swap3A_34 = vector.load %arg4[%swap3A, %swap3A_33] : memref<10000x1xf32, #tpu.memory_space<vmem>>, vector<10000x1xf32>
    tpu.vector_store %arg4[%swap3A, %swap3A_33], %broadcast_in_dim3A {strides = array<i32>} : memref<10000x1xf32, #tpu.memory_space<vmem>>, vector<10000x1xf32>,
    return
  }
}

module attributes {stable_mosaic.version = 14 : i64} {
  func.func @_mid_body(%arg0: memref<2x10240x64xf32, #tpu.memory_space<vmem>>, %arg1: memref<2x10240xf32, #tpu.memory_space<vmem>>, %arg2: memref<10000x64xf32, #tpu.memory_space<vmem>>, %arg3: memref<64xf32, #tpu.memory_space<vmem>>, %arg4: memref<1x64xf32, #tpu.memory_space<vmem>>, %arg5: memref<1x64xf32, #tpu.memory_space<vmem>>, %arg6: memref<10240xf32, #tpu.memory_space<vmem>>, %arg7: memref<10000xf32, #tpu.memory_space<vmem>>) attributes {dimension_semantics = [], scalar_prefetch = 0 : i64, scratch_operands = 0 : i64, tpu.core_type = #tpu.core_type<tc>} {
    %get3A = arith.constant 0 : index
    %get3A_0 = arith.constant 0 : index
    %get3A_1 = vector.load %arg1[%get3A, %get3A_0] : memref<2x10240xf32, #tpu.memory_space<vmem>>, vector<1x10000xf32>
    %get3A_2 = vector.shape_cast %get3A_1 : vector<1x10000xf32> to vector<10000xf32>
    %get3A_3 = arith.constant 1 : index
    %get3A_4 = arith.constant 0 : index
    %get3A_5 = vector.load %arg1[%get3A_3, %get3A_4] : memref<2x10240xf32, #tpu.memory_space<vmem>>, vector<1x10000xf32>
    %get3A_6 = vector.shape_cast %get3A_5 : vector<1x10000xf32> to vector<10000xf32>
    %add3A = arith.addf %get3A_2, %get3A_6 : vector<10000xf32>
    %max3A = arith.constant 1.000000e+00 : f32
    %max3A_7 = vector.broadcast %max3A : f32 to vector<10000xf32>
    %max3A_8 = arith.maximumf %add3A, %max3A_7 : vector<10000xf32>
    %div3A = arith.constant 1.000000e+00 : f32
    %div3A_9 = vector.broadcast %div3A : f32 to vector<10000xf32>
    %div3A_10 = arith.divf %div3A_9, %max3A_8 : vector<10000xf32>
    %get3A_11 = arith.constant 0 : index
    %get3A_12 = arith.constant 0 : index
    %get3A_13 = arith.constant 0 : index
    %get3A_14 = vector.load %arg0[%get3A_11, %get3A_12, %get3A_13] : memref<2x10240x64xf32, #tpu.memory_space<vmem>>, vector<1x10000x64xf32>
    %get3A_15 = vector.shape_cast %get3A_14 : vector<1x10000x64xf32> to vector<10000x64xf32>
    %get3A_16 = arith.constant 1 : index
    %get3A_17 = arith.constant 0 : index
    %get3A_18 = arith.constant 0 : index
    %get3A_19 = vector.load %arg0[%get3A_16, %get3A_17, %get3A_18] : memref<2x10240x64xf32, #tpu.memory_space<vmem>>, vector<1x10000x64xf32>
    %get3A_20 = vector.shape_cast %get3A_19 : vector<1x10000x64xf32> to vector<10000x64xf32>
    %add3A_21 = arith.addf %get3A_15, %get3A_20 : vector<10000x64xf32>
    %broadcast_in_dim3A = vector.shape_cast %div3A_10 : vector<10000xf32> to vector<10000x1xf32>
    %mul3A = vector.broadcast %broadcast_in_dim3A : vector<10000x1xf32> to vector<10000x64xf32>
    %mul3A_22 = arith.mulf %add3A_21, %mul3A : vector<10000x64xf32>
    %get3A_23 = arith.constant 0 : index
    %get3A_24 = arith.constant 0 : index
    %get3A_25 = vector.load %arg2[%get3A_23, %get3A_24] : memref<10000x64xf32, #tpu.memory_space<vmem>>, vector<10000x64xf32>
    %add3A_26 = arith.addf %mul3A_22, %get3A_25 : vector<10000x64xf32>
    %get3A_27 = arith.constant 0 : index
    %get3A_28 = vector.load %arg3[%get3A_27] : memref<64xf32, #tpu.memory_space<vmem>>, vector<64xf32>
    %broadcast_in_dim3A_29 = vector.shape_cast %get3A_28 : vector<64xf32> to vector<1x64xf32>
    %add3A_30 = vector.broadcast %broadcast_in_dim3A_29 : vector<1x64xf32> to vector<10000x64xf32>
    %add3A_31 = arith.addf %add3A_26, %add3A_30 : vector<10000x64xf32>
    %max3A_32 = arith.constant 0.000000e+00 : f32
    %max3A_33 = vector.broadcast %max3A_32 : f32 to vector<10000x64xf32>
    %max3A_34 = arith.maximumf %add3A_31, %max3A_33 : vector<10000x64xf32>
    %broadcast_in_dim3A_35 = arith.constant 0.000000e+00 : f32
    %broadcast_in_dim3A_36 = vector.broadcast %broadcast_in_dim3A_35 : f32 to vector<240xf32>
    %get3A_37 = arith.constant 0 : index
    %get3A_38 = arith.constant 0 : index
    %get3A_39 = vector.load %arg4[%get3A_37, %get3A_38] : memref<1x64xf32, #tpu.memory_space<vmem>>, vector<1x64xf32>
    %squeeze3A = vector.shape_cast %get3A_39 : vector<1x64xf32> to vector<64xf32>
    %broadcast_in_dim3A_40 = vector.shape_cast %squeeze3A : vector<64xf32> to vector<1x64xf32>
    %mul3A_41 = vector.broadcast %broadcast_in_dim3A_40 : vector<1x64xf32> to vector<10000x64xf32>
    %mul3A_42 = arith.mulf %max3A_34, %mul3A_41 : vector<10000x64xf32>
    %reduce_sum3A = arith.constant dense<0.000000e+00> : vector<10000xf32>
    %reduce_sum3A_43 = vector.multi_reduction <add>, %mul3A_42, %reduce_sum3A [1] : vector<10000x64xf32> to vector<10000xf32>
    %concatenate3A = tpu.concatenate %reduce_sum3A_43, %broadcast_in_dim3A_36 in 0 : vector<10000xf32>, vector<240xf32> -> vector<10240xf32>
    %swap3A = arith.constant 0 : index
    %swap3A_44 = vector.load %arg6[%swap3A] : memref<10240xf32, #tpu.memory_space<vmem>>, vector<10240xf32>
    tpu.vector_store %arg6[%swap3A], %concatenate3A {strides = array<i32>} : memref<10240xf32, #tpu.memory_space<vmem>>, vector<10240xf32>,
    %get3A_45 = arith.constant 0 : index
    %get3A_46 = arith.constant 0 : index
    %get3A_47 = vector.load %arg5[%get3A_45, %get3A_46] : memref<1x64xf32, #tpu.memory_space<vmem>>, vector<1x64xf32>
    %squeeze3A_48 = vector.shape_cast %get3A_47 : vector<1x64xf32> to vector<64xf32>
    %broadcast_in_dim3A_49 = vector.shape_cast %squeeze3A_48 : vector<64xf32> to vector<1x64xf32>
    %mul3A_50 = vector.broadcast %broadcast_in_dim3A_49 : vector<1x64xf32> to vector<10000x64xf32>
    %mul3A_51 = arith.mulf %max3A_34, %mul3A_50 : vector<10000x64xf32>
    %reduce_sum3A_52 = arith.constant dense<0.000000e+00> : vector<10000xf32>
    %reduce_sum3A_53 = vector.multi_reduction <add>, %mul3A_51, %reduce_sum3A_52 [1] : vector<10000x64xf32> to vector<10000xf32>
    %swap3A_54 = arith.constant 0 : index
    %swap3A_55 = vector.load %arg7[%swap3A_54] : memref<10000xf32, #tpu.memory_space<vmem>>, vector<10000xf32>
    tpu.vector_store %arg7[%swap3A_54], %reduce_sum3A_53 {strides = array<i32>} : memref<10000xf32, #tpu.memory_space<vmem>>, vector<10000xf32>,
    return
  }
}

</mosaic_0001>

<sc_bundles>
// kernel: kernel.10.cloned.1.call-start
scs
__scs_entry_jumppad:
0x0: {  	(pc) =	sbr.rel $0x88, $3  }
0x1: {  	(tag) =	ssettag $0x0;
	lr =	simm.s32 $0x1  }
0x2: {  	[smem:$0x3F99] =	sst lr;
	_ =	strace $0xD0000000  }
0x3: {  	_ = 	snop  }
0x4: {  	_ = 	snop  }
0x5: {  	_ = 	snop  }
0x6: {  	_ = 	snop  }
0x7: {  	_ = 	snop  }
__scs_overlays_trampoline_lowered:
0x8: {  	[smem:$0x3FA8] =	sst s0  }
0x9: {  	[smem:$0x3FA9] =	sst s1  }
0xa: {  	[smem:$0x3FAA] =	sst s2  }
0xb: {  	[smem:$0x3FAB] =	sst s3  }
0xc: {  	[smem:$0x3FAC] =	sst s4  }
0xd: {  	[smem:$0x3FAD] =	sst s5  }
0xe: {  	[smem:$0x3FAE] =	sst s6  }
0xf: {  	[smem:$0x3FAF] =	sst s7  }
0x10: {  	[smem:$0x3FB0] =	sst s8  }
0x11: {  	[smem:$0x3FB1] =	sst s9;
	s0 =	simm.s32 @!p0 $0x0  }
0x12: {  	s1 =	sld [smem:$0x3F97];
	s0 =	simm.s32 @p0 $0x1  }
0x13: {  	[smem:$0x3FB2] =	sst s0;
	s0 =	simm.s32 @!p1 $0x0  }
0x14: {  	s2 =	sld [smem:$0x3F96];
	s0 =	simm.s32 @p1 $0x1  }
0x15: {  	[smem:$0x3FB3] =	sst s0;
	s0 =	simm.s32 @!p2 $0x0  }
0x16: {  	s3 =	sld [smem:$0x3FDB];
	s0 =	simm.s32 @p2 $0x1  }
0x17: {  	s4 =	simm.s32 $0x1BF5;
	[smem:$0x3FB5] =	sst s0  }
0x18: {  	s0 =	sld [smem:$0x3F98];
	_ =	swait.ge [sflag:s4], $0x0  }
0x19: {  	s7 =	sld [smem:$0x3F99]  }
0x1a: {  	s8 =	sadd.s32 $0xFFFFE003, lr  }
0x1b: {  	s9 =	sadd.s32 $0xFFFFFEF7, lr;
	s5 =	simm.s32 $0xFFFFFFFF;
	p2 =	slt.u32 s8, $0xFFFFF086  }
0x1c: {  	p1 =	slt.u32 s9, $0xF7A;
	s5 =	simm.s32 @!p2 $0x0  }
0x1d: {  	s5 =	simm.s32 @p1 $0x1;
	p0 =	seq.s32 s7, s2  }
0x1e: {  	s7 =	smul.u32 @!p0 $0xF7A, s2;
	p2 =	seq.s32 @!p0 s5, $0x0  }
0x1f: {  	s9 =	smul.u32 $0xF7A, s1;
	s8 =	simm.s32 @!p0 $0x1BF5;
	p2 =	por !p2, p0  }
0x20: {  	[sflag:s8] =	ssyncset.s32 @!p0 $0xFFFFF086;
	s6 =	sadd.s32 @!p0 s3, s7;
	s7 =	simm.s32 @!p0 $0x108  }
0x21: {  	s3 =	sadd.s32 s3, s9;
	s6 =	sadd.s32 @!p0 $0x88, s6;
	s7 =	simm.s32 @p2 $0x1082  }
0x22: {  	[simem:s7], [sflag:s8] =	dma.local @!p0 [hbm:s6], $0xF7A  }
0x23: {  	s9 =	sor.u32 $0xD0000000, s2;
	s6 =	simm.s32 $0x108;
	_ =	swait.ge @!p0 [sflag:s8], $0x0  }
0x24: {  	s3 =	sadd.s32 $0x88, s3;
	s6 =	simm.s32 @!p1 $0x1082;
	[sflag:s4] =	ssyncset.s32 $0xFFFFF086  }
0x25: {  	[simem:s6], [sflag:s4] =	dma.local [hbm:s3], $0xF7A  }
0x26: {  	[smem:$0x3F99] =	sst s1;
	(tag) =	ssettag s2;
	_ =	strace s9  }
0x27: {  	s1 =	sld [smem:$0x3FA9]  }
0x28: {  	s2 =	sld [smem:$0x3FAA]  }
0x29: {  	s4 =	sld [smem:$0x3FAC]  }
0x2a: {  	p0 =	seq.s32 s5, $0x0;
	s5 =	sld [smem:$0x3FAD]  }
0x2b: {  	s6 =	sld [smem:$0x3FAE]  }
0x2c: {  	s7 =	sld [smem:$0x3FAF]  }
0x2d: {  	s3 =	simm.s32 $0x108;
	s8 =	sld [smem:$0x3FB0]  }
0x2e: {  	s3 =	simm.s32 @!p0 $0x1082;
	s9 =	sld [smem:$0x3FB1]  }
0x2f: {  	lr =	sadd.s32 s0, s3;
	s0 =	sld [smem:$0x3FA8]  }
0x30: {  	s3 =	sld [smem:$0x3FAB]  }
0x31: {  	[smem:$0x3FB4] =	sst s10  }
0x32: {  	s10 =	sld [smem:$0x3FB2];
	_ =	sdelay $0x3  }
0x33: {  	p0 =	seq.s32 s10, $0x1;
	s10 =	sld [smem:$0x3FB4];
	_ =	sdelay $0x3  }
0x34: {  	[smem:$0x3FB4] =	sst s10  }
0x35: {  	s10 =	sld [smem:$0x3FB3];
	_ =	sdelay $0x3  }
0x36: {  	p1 =	seq.s32 s10, $0x1;
	s10 =	sld [smem:$0x3FB4];
	_ =	sdelay $0x3  }
0x37: {  	[smem:$0x3FB4] =	sst s10  }
0x38: {  	s10 =	sld [smem:$0x3FB5]  }
0x39: {  	_ = 	snop;
	(pc) =	sbr.ind lr, $3  }
0x3a: {  	_ = 	snop  }
0x3b: {  	_ = 	snop  }
0x3c: {  	p2 =	seq.s32 s10, $0x1;
	s10 =	sld [smem:$0x3FB4]  }
0x3d: {  	_ =	shalt  }
0x3e: {  	_ =	shalt  }
0x3f: {  	_ =	shalt  }
0x40: {  	_ =	shalt  }
0x41: {  	_ =	shalt  }
0x42: {  	_ =	shalt  }
0x43: {  	_ =	shalt  }
0x44: {  	_ =	shalt  }
0x45: {  	_ =	shalt  }
0x46: {  	_ =	shalt  }
0x47: {  	_ =	shalt  }
0x48: {  	_ =	shalt  }
0x49: {  	_ =	shalt  }
0x4a: {  	_ =	shalt  }
0x4b: {  	_ =	shalt  }
0x4c: {  	_ =	shalt  }
0x4d: {  	_ =	shalt  }
0x4e: {  	_ =	shalt  }
0x4f: {  	_ =	shalt  }
0x50: {  	_ =	shalt  }
0x51: {  	_ =	shalt  }
0x52: {  	_ =	shalt  }
0x53: {  	_ =	shalt  }
0x54: {  	_ =	shalt  }
0x55: {  	_ =	shalt  }
0x56: {  	_ =	shalt  }
0x57: {  	_ =	shalt  }
0x58: {  	_ =	shalt  }
0x59: {  	_ =	shalt  }
0x5a: {  	_ =	shalt  }
0x5b: {  	_ =	shalt  }
0x5c: {  	_ =	shalt  }
0x5d: {  	_ =	shalt  }
0x5e: {  	_ =	shalt  }
0x5f: {  	_ =	shalt  }
0x60: {  	_ =	shalt  }
0x61: {  	_ =	shalt  }
0x62: {  	_ =	shalt  }
0x63: {  	_ =	shalt  }
0x64: {  	_ =	shalt  }
0x65: {  	_ =	shalt  }
0x66: {  	_ =	shalt  }
0x67: {  	_ =	shalt  }
0x68: {  	_ =	shalt  }
0x69: {  	_ =	shalt  }
0x6a: {  	_ =	shalt  }
0x6b: {  	_ =	shalt  }
0x6c: {  	_ =	shalt  }
0x6d: {  	_ =	shalt  }
0x6e: {  	_ =	shalt  }
0x6f: {  	_ =	shalt  }
0x70: {  	_ =	shalt  }
0x71: {  	_ =	shalt  }
0x72: {  	_ =	shalt  }
0x73: {  	_ =	shalt  }
0x74: {  	_ =	shalt  }
0x75: {  	_ =	shalt  }
0x76: {  	_ =	shalt  }
0x77: {  	_ =	shalt  }
0x78: {  	_ =	shalt  }
0x79: {  	_ =	shalt  }
0x7a: {  	_ =	shalt  }
0x7b: {  	_ =	shalt  }
0x7c: {  	_ =	shalt  }
0x7d: {  	_ =	shalt  }
0x7e: {  	_ =	shalt  }
0x7f: {  	_ =	shalt  }
0x80: {  	_ =	shalt  }
0x81: {  	_ =	shalt  }
0x82: {  	_ =	shalt  }
0x83: {  	_ =	shalt  }
0x84: {  	_ =	shalt  }
0x85: {  	_ =	shalt  }
0x86: {  	_ =	shalt  }
0x87: {  	_ =	shalt  }
.Lfunc_end0:
.L_simem_size_0:
called_computation.1_lowered:
.L_overlay_start_0:
0x88: {  	s2 =	sld [smem:$0x3FD9]  }
0x89: {  	s3 =	sld [smem:$0x3FFE];
	_ =	sdelay $0x1  }
0x8a: {  	s1 =	srdreg.scid  }
0x8b: {  	s0 =	sand.u32 $0x1, s1  }
0x8c: {  	s17 =	sshll.u32 s0, $0xA;
	s2 =	sadd.s32 s3, s2  }
0x8d: {  	s2 =	sadd.s32 s2, s17  }
0x8e: {  	[smem:$0x3FC0] =	sst s2  }
0x8f: {  	_ = 	snop  }
0x90: {  	s2 =	sld [smem:$0x3FD0];
	(tm) =	ssettm $0x1  }
0x91: {  	s18 =	sld [smem:$0x3FFB];
	_ =	sdelay $0x3  }
0x92: {  	_ =	strace s18  }
0x93: {  	s3 =	sld [smem:$0x3FFC];
	_ =	sdelay $0x3  }
0x94: {  	_ =	strace s3  }
0x95: {  	s3 =	sld [smem:$0x3FFD];
	_ =	sdelay $0x3  }
0x96: {  	_ =	strace s3  }
0x97: {  	_ =	strace $0x8FFFFFFF  }
0x98: {  	s19 =	sld [smem:$0x3FDB];
	_ =	sdelay $0x1  }
0x99: {  	s4 =	simm.s32 $_scs_section_size  }
0x9a: {  	s5 =	simm.s32 $_size__tile_overlayer_lowered;
	s6 =	simm.s32 $_tile_overlayer_lowered  }
0x9b: {  	s22 =	simm.s32 $0x1BFF;
	s21 =	sshll.u32 s6, $0x1;
	s3 =	sadd.s32 s4, s19  }
0x9c: {  	s7 =	simm.s32 $0x0;
	s20 =	sshll.u32 s5, $0x1;
	s5 =	sadd.s32 s21, s3  }
0x9d: {  	[timem:s7], [sflag:s22] =	dma.local [hbm:s5], s20  }
0x9e: {  	_ =	swait.ge [sflag:s22], s20  }
0x9f: {  	s4 =	ssub.s32 $0x0, s20;
	[sflag:s22] =	ssyncset.done $0x0  }
0xa0: {  	[sflag:s22] =	ssyncadd.s32 s4;
	_ =	sdelay $0x1  }
0xa1: {  	s23 =	simm.s32 $0x1B8B  }
0xa2: {  	_ =	swait.ge [sflag:s23], $0x1  }
0xa3: {  	[sflag:s23] =	ssyncset.done $0x0  }
0xa4: {  	s25 =	simm.s32 $0x1B8E;
	s24 =	sld [smem:$0x3FFE];
	[sflag:s23] =	ssyncadd.s32 $0xFFFFFFFF  }
0xa5: {  	s26 =	simm.s32 $execute0_lowered;
	[smem:$0x3FD2] =	sst s25  }
0xa6: {  	s5 =	sshll.u32 s26, $0x1;
	_ =	strace $0x80000049;
	[dreg:$0x1] =	wrdreg $0xFFFFFFFF  }
0xa7: {  	s28 =	simm.s32 $_size_execute0_lowered;
	s3 =	sadd.s32 s3, s5;
	[dreg:$0x0] =	wrdreg $0x0  }
0xa8: {  	s5 =	sshll.u32 s28, $0x1;
	[dreg:$0x2] =	wrdreg s3  }
0xa9: {  	[dreg:$0x3] =	wrdreg s5  }
0xaa: {  	[dreg:$0x4] =	wrdreg $0xC0  }
0xab: {  	_ =	task [dreg:s7], $0x5FFFF  }
0xac: {  	[dreg:$0x1] =	wrdreg $0xFFFFFFFF  }
0xad: {  	[dreg:$0x0] =	wrdreg $0x60  }
0xae: {  	[dreg:$0x2] =	wrdreg s24  }
0xaf: {  	[dreg:$0x3] =	wrdreg s2  }
0xb0: {  	[dreg:$0x4] =	wrdreg $0x0  }
0xb1: {  	[dreg:$0x5] =	wrdreg $0x9  }
0xb2: {  	_ =	task.clear_ibuf [dreg:s7], $0x6FFFF;
	_ =	strace $0x90000049  }
0xb3: {  	s29 =	simm.s32 $0x9;
	_ =	strace $0x8000004B  }
0xb4: {  	_ =	swait.ge [sflag:s29], $0x1  }
0xb5: {  	[sflag:s29] =	ssyncadd.s32 $0xFFFFFFFF  }
0xb6: {  	_ =	strace $0x9000004B  }
0xb7: {  	_ =	sfence  }
0xb8: {  	s30 =	sld [smem:$0x0];
	_ =	sdelay $0x2  }
0xb9: {  	s31 =	sshll.u32 s1, $0xD;
	s1 =	sshrl.u32 s1, $0x2  }
0xba: {  	s3 =	sand.u32 $0x4000, s31;
	s1 =	sadd.s32 s1, s30  }
0xbb: {  	s0 =	sor.u32 s3, s0;
	s1 =	sshll.u32 s1, $0x11  }
0xbc: {  	s0 =	sor.u32 s1, s0  }
0xbd: {  	s0 =	sadd.s32 $0x8F2B, s0  }
0xbe: {  	[sflag:s0] =	ssyncadd.remote.s32 $0x1  }
0xbf: {  	_ =	sfence.sel $0xFFFF  }
0xc0: {  	[dreg:$0x0] =	wrdreg $0xFFFFFFFF;
	(pc) =	sbr.abs _section_cstart, $3  }
0xc1: {  	[dreg:$0x1] =	wrdreg $0xFFFFFFFF  }
0xc2: {  	_ =	task.clear_ibuf [dreg:s7], $0x2FFFF;
	_ =	strace $0x9FFFFFFF  }
0xc3: {  	(tm) =	ssettm $0x7FFFFFFF  }
tec
execute0_lowered:
.L_overlay_start_1:
0x0: {  	(tag) =	ssettag $0x1  }
0x1: {  	s6 =	rddreg [dreg:$0x0]  }
0x2: {  	s2 =	rddreg [dreg:$0x1]  }
0x3: {  	s3 =	rddreg [dreg:$0x2]  }
0x4: {  	s4 =	srdreg.scid;
	s1 =	stileid.u32;
	s12 =	simm.s32 $0x5  }
0x5: {  	s13 =	simm.s32 $0x53C0;
	s14 =	simm.s32 $0x280;
	s15 =	simm.s32 $0x2A80  }
0x6: {  	s16 =	simm.s32 $0x50;
	s17 =	simm.s32 $0x5280;
	s18 =	simm.s32 $0x2AD0  }
0x7: {  	s19 =	simm.s32 $0x52D0;
	s20 =	simm.s32 $0x2B20;
	s21 =	simm.s32 $0x5320  }
0x8: {  	s22 =	simm.s32 $0x2B70;
	s23 =	simm.s32 $0x5370;
	s24 =	simm.s32 $0x1  }
0x9: {  	s25 =	simm.s32 $0x2;
	s26 =	simm.s32 $0x3;
	s28 =	simm.s32 $0x4  }
0xa: {  	s29 =	simm.s32 $0x0;
	s7 =	sand.u32 $0x1, s4;
	s8 =	smul.u32 $0x280, s1  }
0xb: {  	s4 =	simm.s32 $0x0;
	s5 =	sshll.u32 s7, $0x4;
	s9 =	smul.u32 $0x2800, s7  }
0xc: {  	[smem:$0x7FF] =	sst s4;
	s7 =	ssub.s32 $0x2, s7;
	s5 =	sor.u32 s1, s5  }
0xd: {  	_ =	strace $0x8000004A;
	s10 =	smul.u32 $0x500, s5;
	s9 =	sadd.s32 s8, s9  }
0xe: {  	s31 =	sshrl.u32 s7, $0x1;
	s5 =	sadd.s32 $0x1A00, s6;
	s9 =	sshrl.u32 s9, $0x3  }
0xf: {  	s11 =	ssub.s32 s7, s31;
	s10 =	sadd.s32 s10, s6;
	s9 =	sadd.s32 s9, s6  }
0x10: {  	s6 =	sadd.s32 s8, s3;
	s7 =	sadd.s32 $0x5D000, s10;
	s8 =	sadd.s32 $0x53000, s10  }
0x11: {  	s9 =	sadd.s32 $0x2000, s9;
	s10 =	smax.u32 s11, $0x1;
	s11 =	simm.s32 $0x7BC0  }
.LBB2_1:
0x12: {  	[tilespmem:s11], [sflag:$0x5] =	stream.linear.gather [hbm4b:s2+s4], $0x280, $0x38;
	[tilespmem:$0x7E40] =	vst v63  }
0x13: {  	_ =	swait.ge [sflag:s12], $0x280  }
0x14: {  	[sflag:s12] =	ssyncset.done $0x0  }
0x15: {  	[sflag:s12] =	ssyncadd.s32 $0xFFFFFD80  }
0x16: {  	[spmem:s6] =	stream.linear.scatter [tilespmem:s11], [sflag:$0x5], $0x280, $0x38;
	[tilespmem:$0x7E40] =	vst v63  }
0x17: {  	_ =	swait.ge [sflag:s12], $0x280  }
0x18: {  	[sflag:s12] =	ssyncset.done $0x0  }
0x19: {  	[sflag:s12] =	ssyncadd.s32 $0xFFFFFD80  }
0x1a: {  	[tilespmem:s13], [sflag:$0x5] =	stream.linear.gather [hbm4b:s5+s4], $0x2800, $0x38;
	[tilespmem:$0x7E40] =	vst v63  }
0x1b: {  	_ =	swait.ge [sflag:s12], $0x2800  }
0x1c: {  	[sflag:s12] =	ssyncset.done $0x0  }
0x1d: {  	[sflag:s12] =	ssyncadd.s32 $0xFFFFD800  }
0x1e: {  	[tilespmem:s14], [sflag:$0x5] =	stream.linear.gather [hbm4b:s7+s4], $0x2800, $0x38;
	[tilespmem:$0x7E40] =	vst v63  }
0x1f: {  	_ =	swait.ge [sflag:s12], $0x2800  }
0x20: {  	[sflag:s12] =	ssyncset.done $0x0  }
0x21: {  	[sflag:s12] =	ssyncadd.s32 $0xFFFFD800  }
0x22: {  	[tilespmem:s15], [sflag:$0x5] =	stream.linear.gather [hbm4b:s8+s4], $0x2800, $0x38;
	[tilespmem:$0x7E40] =	vst v63  }
0x23: {  	_ =	swait.ge [sflag:s12], $0x2800  }
0x24: {  	[sflag:s12] =	ssyncset.done $0x0  }
0x25: {  	[sflag:s12] =	ssyncadd.s32 $0xFFFFD800  }
0x26: {  	[bflag:$0x0] =	sbarrier.arrive $0xFFFF  }
0x27: {  	v0 =	vld [tilespmem:$0x280];
	_ =	sdelay $0x5  }
0x28: {  	v1 =	vld [tilespmem:$0x290];
	_ =	sdelay $0x1  }
0x29: {  	v0 =	vld.idx.msk [tilespmem:v0+s13+$0x0], $0xffff;
	_ =	sdelay $0x3  }
0x2a: {  	v2 =	vld [tilespmem:$0x2A0]  }
0x2b: {  	[tilespmem:$0x5280] =	vst v0  }
0x2c: {  	v0 =	vld.idx.msk [tilespmem:v1+s13+$0x0], $0xffff;
	_ =	sdelay $0x3  }
0x2d: {  	v47 =	vld [tilespmem:$0x2B0]  }
0x2e: {  	[tilespmem:$0x5290] =	vst v0  }
0x2f: {  	v0 =	vld.idx.msk [tilespmem:v2+s13+$0x0], $0xffff;
	_ =	sdelay $0x3  }
0x30: {  	v48 =	vld [tilespmem:$0x2C0]  }
0x31: {  	[tilespmem:$0x52A0] =	vst v0  }
0x32: {  	v0 =	vld.idx.msk [tilespmem:v47+s13+$0x0], $0xffff;
	_ =	sdelay $0x4  }
0x33: {  	[tilespmem:$0x52B0] =	vst v0  }
0x34: {  	v0 =	vld.idx.msk [tilespmem:v48+s13+$0x0], $0xffff;
	_ =	sdelay $0x4  }
0x35: {  	[tilespmem:$0x52C0] =	vst v0  }
0x36: {  	[spmem:s3] =	stream.indirect.scatter.add.f32 [tilespmem:s17], [sflag:$0x1], $0x1, s15, s16, $0xb8;
	[tilespmem:$0x7E40] =	vst v63  }
0x37: {  	v49 =	vld [tilespmem:$0x2D0];
	_ =	sdelay $0x5  }
0x38: {  	v50 =	vld [tilespmem:$0x2E0];
	_ =	sdelay $0x1  }
0x39: {  	v0 =	vld.idx.msk [tilespmem:v49+s13+$0x0], $0xffff;
	_ =	sdelay $0x3  }
0x3a: {  	v51 =	vld [tilespmem:$0x2F0]  }
0x3b: {  	[tilespmem:$0x52D0] =	vst v0  }
0x3c: {  	v0 =	vld.idx.msk [tilespmem:v50+s13+$0x0], $0xffff;
	_ =	sdelay $0x3  }
0x3d: {  	v52 =	vld [tilespmem:$0x300]  }
0x3e: {  	[tilespmem:$0x52E0] =	vst v0  }
0x3f: {  	v0 =	vld.idx.msk [tilespmem:v51+s13+$0x0], $0xffff;
	_ =	sdelay $0x3  }
0x40: {  	v53 =	vld [tilespmem:$0x310]  }
0x41: {  	[tilespmem:$0x52F0] =	vst v0  }
0x42: {  	v0 =	vld.idx.msk [tilespmem:v52+s13+$0x0], $0xffff;
	_ =	sdelay $0x4  }
0x43: {  	[tilespmem:$0x5300] =	vst v0  }
0x44: {  	v0 =	vld.idx.msk [tilespmem:v53+s13+$0x0], $0xffff;
	_ =	sdelay $0x4  }
0x45: {  	[tilespmem:$0x5310] =	vst v0  }
0x46: {  	[spmem:s3] =	stream.indirect.scatter.add.f32 [tilespmem:s19], [sflag:$0x2], $0x1, s18, s16, $0xb8;
	[tilespmem:$0x7E40] =	vst v63  }
0x47: {  	v54 =	vld [tilespmem:$0x320];
	_ =	sdelay $0x5  }
0x48: {  	v55 =	vld [tilespmem:$0x330];
	_ =	sdelay $0x1  }
0x49: {  	v0 =	vld.idx.msk [tilespmem:v54+s13+$0x0], $0xffff;
	_ =	sdelay $0x3  }
0x4a: {  	v56 =	vld [tilespmem:$0x340]  }
0x4b: {  	[tilespmem:$0x5320] =	vst v0  }
0x4c: {  	v0 =	vld.idx.msk [tilespmem:v55+s13+$0x0], $0xffff;
	_ =	sdelay $0x3  }
0x4d: {  	v57 =	vld [tilespmem:$0x350]  }
0x4e: {  	[tilespmem:$0x5330] =	vst v0  }
0x4f: {  	v0 =	vld.idx.msk [tilespmem:v56+s13+$0x0], $0xffff;
	_ =	sdelay $0x3  }
0x50: {  	v58 =	vld [tilespmem:$0x360]  }
0x51: {  	[tilespmem:$0x5340] =	vst v0  }
0x52: {  	v0 =	vld.idx.msk [tilespmem:v57+s13+$0x0], $0xffff;
	_ =	sdelay $0x4  }
0x53: {  	[tilespmem:$0x5350] =	vst v0  }
0x54: {  	v0 =	vld.idx.msk [tilespmem:v58+s13+$0x0], $0xffff;
	_ =	sdelay $0x4  }
0x55: {  	[tilespmem:$0x5360] =	vst v0  }
0x56: {  	[spmem:s3] =	stream.indirect.scatter.add.f32 [tilespmem:s21], [sflag:$0x3], $0x1, s20, s16, $0xb8;
	[tilespmem:$0x7E40] =	vst v63  }
0x57: {  	v59 =	vld [tilespmem:$0x370];
	_ =	sdelay $0x5  }
0x58: {  	v60 =	vld [tilespmem:$0x380];
	_ =	sdelay $0x1  }
0x59: {  	v0 =	vld.idx.msk [tilespmem:v59+s13+$0x0], $0xffff;
	_ =	sdelay $0x3  }
0x5a: {  	v61 =	vld [tilespmem:$0x390]  }
0x5b: {  	[tilespmem:$0x5370] =	vst v0  }
0x5c: {  	v0 =	vld.idx.msk [tilespmem:v60+s13+$0x0], $0xffff;
	_ =	sdelay $0x3  }
0x5d: {  	v62 =	vld [tilespmem:$0x3A0]  }
0x5e: {  	[tilespmem:$0x5380] =	vst v0  }
0x5f: {  	v0 =	vld.idx.msk [tilespmem:v61+s13+$0x0], $0xffff;
	_ =	sdelay $0x3  }
0x60: {  	v63 =	vld [tilespmem:$0x3B0]  }
0x61: {  	[tilespmem:$0x5390] =	vst v0  }
0x62: {  	v0 =	vld.idx.msk [tilespmem:v62+s13+$0x0], $0xffff;
	_ =	sdelay $0x4  }
0x63: {  	[tilespmem:$0x53A0] =	vst v0  }
0x64: {  	v0 =	vld.idx.msk [tilespmem:v63+s13+$0x0], $0xffff;
	_ =	sdelay $0x4  }
0x65: {  	s30 =	simm.s32 $0x0;
	[tilespmem:$0x53B0] =	vst v0  }
0x66: {  	[spmem:s3] =	stream.indirect.scatter.add.f32 [tilespmem:s23], [sflag:$0x4], $0x1, s22, s16, $0xb8;
	[tilespmem:$0x7E40] =	vst v63  }
.LBB2_2:
0x67: {  	_ =	swait.ge [sflag:s24], $0x50  }
0x68: {  	[sflag:s24] =	ssyncset.done $0x0  }
0x69: {  	s31 =	sshra.s32 s30, $0x2;
	[sflag:s24] =	ssyncadd.s32 $0xFFFFFFB0  }
0x6a: {  	v0 =	vld [tilespmem:s31+$0x3C0];
	_ =	sdelay $0x7  }
0x6b: {  	v0 =	vld.idx.msk [tilespmem:v0+s13+$0x0], $0xffff;
	_ =	sdelay $0x4  }
0x6c: {  	[tilespmem:$0x5280] =	vst v0  }
0x6d: {  	v0 =	vld [tilespmem:s31+$0x3D0];
	_ =	sdelay $0x7  }
0x6e: {  	v0 =	vld.idx.msk [tilespmem:v0+s13+$0x0], $0xffff;
	_ =	sdelay $0x4  }
0x6f: {  	[tilespmem:$0x5290] =	vst v0  }
0x70: {  	v0 =	vld [tilespmem:s31+$0x3E0];
	_ =	sdelay $0x7  }
0x71: {  	v0 =	vld.idx.msk [tilespmem:v0+s13+$0x0], $0xffff;
	_ =	sdelay $0x4  }
0x72: {  	[tilespmem:$0x52A0] =	vst v0  }
0x73: {  	v0 =	vld [tilespmem:s31+$0x3F0];
	_ =	sdelay $0x7  }
0x74: {  	v0 =	vld.idx.msk [tilespmem:v0+s13+$0x0], $0xffff;
	_ =	sdelay $0x4  }
0x75: {  	[tilespmem:$0x52B0] =	vst v0  }
0x76: {  	v0 =	vld [tilespmem:s31+$0x400];
	_ =	sdelay $0x7  }
0x77: {  	v0 =	vld.idx.msk [tilespmem:v0+s13+$0x0], $0xffff;
	_ =	sdelay $0x4  }
0x78: {  	s0 =	sadd.s32 $0x2BC0, s31;
	[tilespmem:$0x52C0] =	vst v0  }
0x79: {  	[spmem:s3] =	stream.indirect.scatter.add.f32 [tilespmem:s17], [sflag:$0x1], $0x1, s0, s16, $0xb8;
	[tilespmem:$0x7E40] =	vst v63  }
0x7a: {  	_ =	swait.ge [sflag:s25], $0x50  }
0x7b: {  	[sflag:s25] =	ssyncset.done $0x0  }
0x7c: {  	[sflag:s25] =	ssyncadd.s32 $0xFFFFFFB0  }
0x7d: {  	v61 =	vld [tilespmem:s31+$0x410];
	_ =	sdelay $0x7  }
0x7e: {  	v0 =	vld.idx.msk [tilespmem:v61+s13+$0x0], $0xffff;
	_ =	sdelay $0x4  }
0x7f: {  	[tilespmem:$0x52D0] =	vst v0  }
0x80: {  	v0 =	vld [tilespmem:s31+$0x420];
	_ =	sdelay $0x7  }
0x81: {  	v0 =	vld.idx.msk [tilespmem:v0+s13+$0x0], $0xffff;
	_ =	sdelay $0x4  }
0x82: {  	[tilespmem:$0x52E0] =	vst v0  }
0x83: {  	v0 =	vld [tilespmem:s31+$0x430];
	_ =	sdelay $0x7  }
0x84: {  	v0 =	vld.idx.msk [tilespmem:v0+s13+$0x0], $0xffff;
	_ =	sdelay $0x4  }
0x85: {  	[tilespmem:$0x52F0] =	vst v0  }
0x86: {  	v0 =	vld [tilespmem:s31+$0x440];
	_ =	sdelay $0x7  }
0x87: {  	v0 =	vld.idx.msk [tilespmem:v0+s13+$0x0], $0xffff;
	_ =	sdelay $0x4  }
0x88: {  	[tilespmem:$0x5300] =	vst v0  }
0x89: {  	v0 =	vld [tilespmem:s31+$0x450];
	_ =	sdelay $0x7  }
0x8a: {  	v0 =	vld.idx.msk [tilespmem:v0+s13+$0x0], $0xffff;
	_ =	sdelay $0x4  }
0x8b: {  	s0 =	sadd.s32 $0x2C10, s31;
	[tilespmem:$0x5310] =	vst v0  }
0x8c: {  	[spmem:s3] =	stream.indirect.scatter.add.f32 [tilespmem:s19], [sflag:$0x2], $0x1, s0, s16, $0xb8;
	[tilespmem:$0x7E40] =	vst v63  }
0x8d: {  	_ =	swait.ge [sflag:s26], $0x50  }
0x8e: {  	[sflag:s26] =	ssyncset.done $0x0  }
0x8f: {  	[sflag:s26] =	ssyncadd.s32 $0xFFFFFFB0  }
0x90: {  	v62 =	vld [tilespmem:s31+$0x460];
	_ =	sdelay $0x7  }
0x91: {  	v0 =	vld.idx.msk [tilespmem:v62+s13+$0x0], $0xffff;
	_ =	sdelay $0x4  }
0x92: {  	[tilespmem:$0x5320] =	vst v0  }
0x93: {  	v0 =	vld [tilespmem:s31+$0x470];
	_ =	sdelay $0x7  }
0x94: {  	v0 =	vld.idx.msk [tilespmem:v0+s13+$0x0], $0xffff;
	_ =	sdelay $0x4  }
0x95: {  	[tilespmem:$0x5330] =	vst v0  }
0x96: {  	v0 =	vld [tilespmem:s31+$0x480];
	_ =	sdelay $0x7  }
0x97: {  	v0 =	vld.idx.msk [tilespmem:v0+s13+$0x0], $0xffff;
	_ =	sdelay $0x4  }
0x98: {  	[tilespmem:$0x5340] =	vst v0  }
0x99: {  	v0 =	vld [tilespmem:s31+$0x490];
	_ =	sdelay $0x7  }
0x9a: {  	v0 =	vld.idx.msk [tilespmem:v0+s13+$0x0], $0xffff;
	_ =	sdelay $0x4  }
0x9b: {  	[tilespmem:$0x5350] =	vst v0  }
0x9c: {  	v0 =	vld [tilespmem:s31+$0x4A0];
	_ =	sdelay $0x7  }
0x9d: {  	v0 =	vld.idx.msk [tilespmem:v0+s13+$0x0], $0xffff;
	_ =	sdelay $0x4  }
0x9e: {  	s0 =	sadd.s32 $0x2C60, s31;
	[tilespmem:$0x5360] =	vst v0  }
0x9f: {  	[spmem:s3] =	stream.indirect.scatter.add.f32 [tilespmem:s21], [sflag:$0x3], $0x1, s0, s16, $0xb8;
	[tilespmem:$0x7E40] =	vst v63  }
0xa0: {  	_ =	swait.ge [sflag:s28], $0x50  }
0xa1: {  	[sflag:s28] =	ssyncset.done $0x0  }
0xa2: {  	[sflag:s28] =	ssyncadd.s32 $0xFFFFFFB0  }
0xa3: {  	v63 =	vld [tilespmem:s31+$0x4B0];
	_ =	sdelay $0x7  }
0xa4: {  	v0 =	vld.idx.msk [tilespmem:v63+s13+$0x0], $0xffff;
	_ =	sdelay $0x4  }
0xa5: {  	[tilespmem:$0x5370] =	vst v0  }
0xa6: {  	v0 =	vld [tilespmem:s31+$0x4C0];
	_ =	sdelay $0x7  }
0xa7: {  	v0 =	vld.idx.msk [tilespmem:v0+s13+$0x0], $0xffff;
	_ =	sdelay $0x4  }
0xa8: {  	[tilespmem:$0x5380] =	vst v0  }
0xa9: {  	v0 =	vld [tilespmem:s31+$0x4D0];
	_ =	sdelay $0x7  }
0xaa: {  	v0 =	vld.idx.msk [tilespmem:v0+s13+$0x0], $0xffff;
	_ =	sdelay $0x4  }
0xab: {  	[tilespmem:$0x5390] =	vst v0  }
0xac: {  	v0 =	vld [tilespmem:s31+$0x4E0];
	_ =	sdelay $0x7  }
0xad: {  	v0 =	vld.idx.msk [tilespmem:v0+s13+$0x0], $0xffff;
	_ =	sdelay $0x4  }
0xae: {  	[tilespmem:$0x53A0] =	vst v0  }
0xaf: {  	v0 =	vld [tilespmem:s31+$0x4F0];
	_ =	sdelay $0x7  }
0xb0: {  	v0 =	vld.idx.msk [tilespmem:v0+s13+$0x0], $0xffff  }
0xb1: {  	p0 =	sne.s32 s30, $0x9600  }
.Ltmp0:
0xb2: {  	_ = 	snop;
	(pc) =	sbr.rel @p0 .LBB2_2-.Ltmp0, $3  }
0xb3: {  	_ =	sdelay $0x1  }
0xb4: {  	s30 =	sadd.s32 $0x500, s30;
	s31 =	sadd.s32 $0x2CB0, s31;
	[tilespmem:$0x53B0] =	vst v0  }
0xb5: {  	[spmem:s3] =	stream.indirect.scatter.add.f32 [tilespmem:s23], [sflag:$0x4], $0x1, s31, s16, $0xb8;
	[tilespmem:$0x7E40] =	vst v63  }
0xb6: {  	_ =	swait.ge [sflag:s24], $0x50  }
0xb7: {  	[sflag:s24] =	ssyncset.done $0x0  }
0xb8: {  	[sflag:s24] =	ssyncadd.s32 $0xFFFFFFB0  }
0xb9: {  	_ =	swait.ge [sflag:s25], $0x50  }
0xba: {  	[sflag:s25] =	ssyncset.done $0x0  }
0xbb: {  	[sflag:s25] =	ssyncadd.s32 $0xFFFFFFB0  }
0xbc: {  	_ =	swait.ge [sflag:s26], $0x50  }
0xbd: {  	[sflag:s26] =	ssyncset.done $0x0  }
0xbe: {  	[sflag:s26] =	ssyncadd.s32 $0xFFFFFFB0  }
0xbf: {  	_ =	swait.ge [sflag:s28], $0x50  }
0xc0: {  	[sflag:s28] =	ssyncset.done $0x0  }
0xc1: {  	[sflag:s28] =	ssyncadd.s32 $0xFFFFFFB0  }
0xc2: {  	[bflag:$0x0] =	sbarrier.arrive $0xFFFF  }
0xc3: {  	[tilespmem:s11], [sflag:$0x5] =	stream.linear.gather [spmem:s6], $0x280, $0x38;
	[tilespmem:$0x7E40] =	vst v63  }
0xc4: {  	s29 =	sadd.s32 $0x1, s29;
	_ =	swait.ge [sflag:s12], $0x280  }
0xc5: {  	p0 =	sne.s32 s29, s10;
	[sflag:s12] =	ssyncset.done $0x0  }
.Ltmp1:
0xc6: {  	[sflag:s12] =	ssyncadd.s32 $0xFFFFFD80;
	(pc) =	sbr.rel @p0 .LBB2_1-.Ltmp1, $4  }
0xc7: {  	[hbm4b:s9+s4] =	stream.linear.scatter [tilespmem:s11], [sflag:$0x5], $0x280, $0x38;
	[tilespmem:$0x7E40] =	vst v63  }
0xc8: {  	_ =	swait.ge [sflag:s12], $0x280  }
0xc9: {  	[sflag:s12] =	ssyncset.done $0x0  }
0xca: {  	[sflag:s12] =	ssyncadd.s32 $0xFFFFFD80  }
0xcb: {  	_ =	sfence.sel $0x180000  }
0xcc: {  	[bflag:$0x0] =	sbarrier.arrive $0xFFFF  }
0xcd: {  	_ =	strace $0x9000004A  }
0xce: {  	[bflag:$0x2] =	sbarrier.arrive $0xFFFF  }
0xcf: {  	p0 =	sne.s32 s1, $0x0;
	s0 =	rddreg [dreg:$0x3]  }
0xd0: {  	s0 =	sadd.s32 @!p0 $0x100000, s0  }
0xd1: {  	[sflag:s0] =	ssyncadd.tile.s32 @!p0 $0x1;
	_ =	shalt  }
.Lfunc_end2:
_tile_overlayer_lowered:
.L_overlay_start_2:
0xd2: {  	(tag) =	ssettag $0x2  }
0xd3: {  	s0 =	rddreg [dreg:$0x0];
	s2 =	stileid.u32  }
0xd4: {  	s1 =	rddreg [dreg:$0x1];
	p0 =	sne.s32 s2, $0x0  }
0xd5: {  	s3 =	rddreg [dreg:$0x2];
	[bflag:$0x3] =	sbarrier.arrive $0xFFFF;
	s2 =	simm.s32 @!p0 $0x1C05  }
0xd6: {  	[timem:s3], [sflag:s2] =	dma.local @!p0 [hbm:s0], s1  }
0xd7: {  	s0 =	simm.s32 @!p0 $0x5  }
0xd8: {  	_ =	swait.ge @!p0 [sflag:s0], s1  }
0xd9: {  	s1 =	ssub.s32 @!p0 $0x0, s1;
	[sflag:s0] =	ssyncset.done @!p0 $0x0  }
0xda: {  	[sflag:s0] =	ssyncadd.s32 @!p0 s1  }
0xdb: {  	[bflag:$0x3] =	sbarrier.arrive $0xFFFF  }
0xdc: {  	_ =	shalt  }

// kernel: kernel.7.cloned.1.call-start
scs
__scs_entry_jumppad:
0x0: {  	(pc) =	sbr.rel $0x88, $3  }
0x1: {  	(tag) =	ssettag $0x0;
	lr =	simm.s32 $0x1  }
0x2: {  	[smem:$0x3F99] =	sst lr;
	_ =	strace $0xD0000000  }
0x3: {  	_ = 	snop  }
0x4: {  	_ = 	snop  }
0x5: {  	_ = 	snop  }
0x6: {  	_ = 	snop  }
0x7: {  	_ = 	snop  }
__scs_overlays_trampoline_lowered:
0x8: {  	[smem:$0x3FA8] =	sst s0  }
0x9: {  	[smem:$0x3FA9] =	sst s1  }
0xa: {  	[smem:$0x3FAA] =	sst s2  }
0xb: {  	[smem:$0x3FAB] =	sst s3  }
0xc: {  	[smem:$0x3FAC] =	sst s4  }
0xd: {  	[smem:$0x3FAD] =	sst s5  }
0xe: {  	[smem:$0x3FAE] =	sst s6  }
0xf: {  	[smem:$0x3FAF] =	sst s7  }
0x10: {  	[smem:$0x3FB0] =	sst s8  }
0x11: {  	[smem:$0x3FB1] =	sst s9;
	s0 =	simm.s32 @!p0 $0x0  }
0x12: {  	s1 =	sld [smem:$0x3F97];
	s0 =	simm.s32 @p0 $0x1  }
0x13: {  	[smem:$0x3FB2] =	sst s0;
	s0 =	simm.s32 @!p1 $0x0  }
0x14: {  	s2 =	sld [smem:$0x3F96];
	s0 =	simm.s32 @p1 $0x1  }
0x15: {  	[smem:$0x3FB3] =	sst s0;
	s0 =	simm.s32 @!p2 $0x0  }
0x16: {  	s3 =	sld [smem:$0x3FDB];
	s0 =	simm.s32 @p2 $0x1  }
0x17: {  	s4 =	simm.s32 $0x1BF5;
	[smem:$0x3FB5] =	sst s0  }
0x18: {  	s0 =	sld [smem:$0x3F98];
	_ =	swait.ge [sflag:s4], $0x0  }
0x19: {  	s7 =	sld [smem:$0x3F99]  }
0x1a: {  	s8 =	sadd.s32 $0xFFFFE003, lr  }
0x1b: {  	s9 =	sadd.s32 $0xFFFFFEF7, lr;
	s5 =	simm.s32 $0xFFFFFFFF;
	p2 =	slt.u32 s8, $0xFFFFF086  }
0x1c: {  	p1 =	slt.u32 s9, $0xF7A;
	s5 =	simm.s32 @!p2 $0x0  }
0x1d: {  	s5 =	simm.s32 @p1 $0x1;
	p0 =	seq.s32 s7, s2  }
0x1e: {  	s7 =	smul.u32 @!p0 $0xF7A, s2;
	p2 =	seq.s32 @!p0 s5, $0x0  }
0x1f: {  	s9 =	smul.u32 $0xF7A, s1;
	s8 =	simm.s32 @!p0 $0x1BF5;
	p2 =	por !p2, p0  }
0x20: {  	[sflag:s8] =	ssyncset.s32 @!p0 $0xFFFFF086;
	s6 =	sadd.s32 @!p0 s3, s7;
	s7 =	simm.s32 @!p0 $0x108  }
0x21: {  	s3 =	sadd.s32 s3, s9;
	s6 =	sadd.s32 @!p0 $0x88, s6;
	s7 =	simm.s32 @p2 $0x1082  }
0x22: {  	[simem:s7], [sflag:s8] =	dma.local @!p0 [hbm:s6], $0xF7A  }
0x23: {  	s9 =	sor.u32 $0xD0000000, s2;
	s6 =	simm.s32 $0x108;
	_ =	swait.ge @!p0 [sflag:s8], $0x0  }
0x24: {  	s3 =	sadd.s32 $0x88, s3;
	s6 =	simm.s32 @!p1 $0x1082;
	[sflag:s4] =	ssyncset.s32 $0xFFFFF086  }
0x25: {  	[simem:s6], [sflag:s4] =	dma.local [hbm:s3], $0xF7A  }
0x26: {  	[smem:$0x3F99] =	sst s1;
	(tag) =	ssettag s2;
	_ =	strace s9  }
0x27: {  	s1 =	sld [smem:$0x3FA9]  }
0x28: {  	s2 =	sld [smem:$0x3FAA]  }
0x29: {  	s4 =	sld [smem:$0x3FAC]  }
0x2a: {  	p0 =	seq.s32 s5, $0x0;
	s5 =	sld [smem:$0x3FAD]  }
0x2b: {  	s6 =	sld [smem:$0x3FAE]  }
0x2c: {  	s7 =	sld [smem:$0x3FAF]  }
0x2d: {  	s3 =	simm.s32 $0x108;
	s8 =	sld [smem:$0x3FB0]  }
0x2e: {  	s3 =	simm.s32 @!p0 $0x1082;
	s9 =	sld [smem:$0x3FB1]  }
0x2f: {  	lr =	sadd.s32 s0, s3;
	s0 =	sld [smem:$0x3FA8]  }
0x30: {  	s3 =	sld [smem:$0x3FAB]  }
0x31: {  	[smem:$0x3FB4] =	sst s10  }
0x32: {  	s10 =	sld [smem:$0x3FB2];
	_ =	sdelay $0x3  }
0x33: {  	p0 =	seq.s32 s10, $0x1;
	s10 =	sld [smem:$0x3FB4];
	_ =	sdelay $0x3  }
0x34: {  	[smem:$0x3FB4] =	sst s10  }
0x35: {  	s10 =	sld [smem:$0x3FB3];
	_ =	sdelay $0x3  }
0x36: {  	p1 =	seq.s32 s10, $0x1;
	s10 =	sld [smem:$0x3FB4];
	_ =	sdelay $0x3  }
0x37: {  	[smem:$0x3FB4] =	sst s10  }
0x38: {  	s10 =	sld [smem:$0x3FB5]  }
0x39: {  	_ = 	snop;
	(pc) =	sbr.ind lr, $3  }
0x3a: {  	_ = 	snop  }
0x3b: {  	_ = 	snop  }
0x3c: {  	p2 =	seq.s32 s10, $0x1;
	s10 =	sld [smem:$0x3FB4]  }
0x3d: {  	_ =	shalt  }
0x3e: {  	_ =	shalt  }
0x3f: {  	_ =	shalt  }
0x40: {  	_ =	shalt  }
0x41: {  	_ =	shalt  }
0x42: {  	_ =	shalt  }
0x43: {  	_ =	shalt  }
0x44: {  	_ =	shalt  }
0x45: {  	_ =	shalt  }
0x46: {  	_ =	shalt  }
0x47: {  	_ =	shalt  }
0x48: {  	_ =	shalt  }
0x49: {  	_ =	shalt  }
0x4a: {  	_ =	shalt  }
0x4b: {  	_ =	shalt  }
0x4c: {  	_ =	shalt  }
0x4d: {  	_ =	shalt  }
0x4e: {  	_ =	shalt  }
0x4f: {  	_ =	shalt  }
0x50: {  	_ =	shalt  }
0x51: {  	_ =	shalt  }
0x52: {  	_ =	shalt  }
0x53: {  	_ =	shalt  }
0x54: {  	_ =	shalt  }
0x55: {  	_ =	shalt  }
0x56: {  	_ =	shalt  }
0x57: {  	_ =	shalt  }
0x58: {  	_ =	shalt  }
0x59: {  	_ =	shalt  }
0x5a: {  	_ =	shalt  }
0x5b: {  	_ =	shalt  }
0x5c: {  	_ =	shalt  }
0x5d: {  	_ =	shalt  }
0x5e: {  	_ =	shalt  }
0x5f: {  	_ =	shalt  }
0x60: {  	_ =	shalt  }
0x61: {  	_ =	shalt  }
0x62: {  	_ =	shalt  }
0x63: {  	_ =	shalt  }
0x64: {  	_ =	shalt  }
0x65: {  	_ =	shalt  }
0x66: {  	_ =	shalt  }
0x67: {  	_ =	shalt  }
0x68: {  	_ =	shalt  }
0x69: {  	_ =	shalt  }
0x6a: {  	_ =	shalt  }
0x6b: {  	_ =	shalt  }
0x6c: {  	_ =	shalt  }
0x6d: {  	_ =	shalt  }
0x6e: {  	_ =	shalt  }
0x6f: {  	_ =	shalt  }
0x70: {  	_ =	shalt  }
0x71: {  	_ =	shalt  }
0x72: {  	_ =	shalt  }
0x73: {  	_ =	shalt  }
0x74: {  	_ =	shalt  }
0x75: {  	_ =	shalt  }
0x76: {  	_ =	shalt  }
0x77: {  	_ =	shalt  }
0x78: {  	_ =	shalt  }
0x79: {  	_ =	shalt  }
0x7a: {  	_ =	shalt  }
0x7b: {  	_ =	shalt  }
0x7c: {  	_ =	shalt  }
0x7d: {  	_ =	shalt  }
0x7e: {  	_ =	shalt  }
0x7f: {  	_ =	shalt  }
0x80: {  	_ =	shalt  }
0x81: {  	_ =	shalt  }
0x82: {  	_ =	shalt  }
0x83: {  	_ =	shalt  }
0x84: {  	_ =	shalt  }
0x85: {  	_ =	shalt  }
0x86: {  	_ =	shalt  }
0x87: {  	_ =	shalt  }
.Lfunc_end0:
.L_simem_size_0:
called_computation_lowered:
.L_overlay_start_0:
0x88: {  	s2 =	sld [smem:$0x3FD9]  }
0x89: {  	s3 =	sld [smem:$0x3FFE];
	_ =	sdelay $0x1  }
0x8a: {  	s1 =	srdreg.scid  }
0x8b: {  	s0 =	sand.u32 $0x1, s1  }
0x8c: {  	s17 =	sshll.u32 s0, $0xA;
	s2 =	sadd.s32 s3, s2  }
0x8d: {  	s2 =	sadd.s32 s2, s17  }
0x8e: {  	[smem:$0x3FC0] =	sst s2  }
0x8f: {  	_ = 	snop  }
0x90: {  	s2 =	sld [smem:$0x3FD0];
	(tm) =	ssettm $0x1  }
0x91: {  	s18 =	sld [smem:$0x3FFB];
	_ =	sdelay $0x3  }
0x92: {  	_ =	strace s18  }
0x93: {  	s3 =	sld [smem:$0x3FFC];
	_ =	sdelay $0x3  }
0x94: {  	_ =	strace s3  }
0x95: {  	s3 =	sld [smem:$0x3FFD];
	_ =	sdelay $0x3  }
0x96: {  	_ =	strace s3  }
0x97: {  	_ =	strace $0x8FFFFFFF  }
0x98: {  	s19 =	sld [smem:$0x3FDB];
	_ =	sdelay $0x1  }
0x99: {  	s4 =	simm.s32 $_scs_section_size  }
0x9a: {  	s5 =	simm.s32 $_size__tile_overlayer_lowered;
	s6 =	simm.s32 $_tile_overlayer_lowered  }
0x9b: {  	s22 =	simm.s32 $0x1BFF;
	s21 =	sshll.u32 s6, $0x1;
	s3 =	sadd.s32 s4, s19  }
0x9c: {  	s7 =	simm.s32 $0x0;
	s20 =	sshll.u32 s5, $0x1;
	s5 =	sadd.s32 s21, s3  }
0x9d: {  	[timem:s7], [sflag:s22] =	dma.local [hbm:s5], s20  }
0x9e: {  	_ =	swait.ge [sflag:s22], s20  }
0x9f: {  	s4 =	ssub.s32 $0x0, s20;
	[sflag:s22] =	ssyncset.done $0x0  }
0xa0: {  	[sflag:s22] =	ssyncadd.s32 s4;
	_ =	sdelay $0x1  }
0xa1: {  	s23 =	simm.s32 $0x1B8B  }
0xa2: {  	_ =	swait.ge [sflag:s23], $0x1  }
0xa3: {  	[sflag:s23] =	ssyncset.done $0x0  }
0xa4: {  	s25 =	simm.s32 $0x1B8E;
	s24 =	sld [smem:$0x3FFE];
	[sflag:s23] =	ssyncadd.s32 $0xFFFFFFFF  }
0xa5: {  	s26 =	simm.s32 $execute0_lowered;
	[smem:$0x3FD2] =	sst s25  }
0xa6: {  	s5 =	sshll.u32 s26, $0x1;
	_ =	strace $0x80000046;
	[dreg:$0x1] =	wrdreg $0xFFFFFFFF  }
0xa7: {  	s28 =	simm.s32 $_size_execute0_lowered;
	s3 =	sadd.s32 s3, s5;
	[dreg:$0x0] =	wrdreg $0x0  }
0xa8: {  	s5 =	sshll.u32 s28, $0x1;
	[dreg:$0x2] =	wrdreg s3  }
0xa9: {  	[dreg:$0x3] =	wrdreg s5  }
0xaa: {  	[dreg:$0x4] =	wrdreg $0xC0  }
0xab: {  	_ =	task [dreg:s7], $0x5FFFF  }
0xac: {  	[dreg:$0x1] =	wrdreg $0xFFFFFFFF  }
0xad: {  	[dreg:$0x0] =	wrdreg $0x60  }
0xae: {  	[dreg:$0x2] =	wrdreg s24  }
0xaf: {  	[dreg:$0x3] =	wrdreg s2  }
0xb0: {  	[dreg:$0x4] =	wrdreg $0x0  }
0xb1: {  	[dreg:$0x5] =	wrdreg $0xA0000  }
0xb2: {  	[dreg:$0x6] =	wrdreg $0x9  }
0xb3: {  	_ =	task.clear_ibuf [dreg:s7], $0x7FFFF;
	_ =	strace $0x90000046  }
0xb4: {  	s29 =	simm.s32 $0x9;
	_ =	strace $0x80000048  }
0xb5: {  	_ =	swait.ge [sflag:s29], $0x1  }
0xb6: {  	[sflag:s29] =	ssyncadd.s32 $0xFFFFFFFF  }
0xb7: {  	_ =	strace $0x90000048  }
0xb8: {  	_ =	sfence  }
0xb9: {  	s30 =	sld [smem:$0x0];
	_ =	sdelay $0x2  }
0xba: {  	s31 =	sshll.u32 s1, $0xD;
	s1 =	sshrl.u32 s1, $0x2  }
0xbb: {  	s3 =	sand.u32 $0x4000, s31;
	s1 =	sadd.s32 s1, s30  }
0xbc: {  	s0 =	sor.u32 s3, s0;
	s1 =	sshll.u32 s1, $0x11  }
0xbd: {  	s0 =	sor.u32 s1, s0  }
0xbe: {  	s0 =	sadd.s32 $0x8F2B, s0  }
0xbf: {  	[sflag:s0] =	ssyncadd.remote.s32 $0x1  }
0xc0: {  	_ =	sfence.sel $0xFFFF  }
0xc1: {  	[dreg:$0x0] =	wrdreg $0xFFFFFFFF;
	(pc) =	sbr.abs _section_cstart, $3  }
0xc2: {  	[dreg:$0x1] =	wrdreg $0xFFFFFFFF  }
0xc3: {  	_ =	task.clear_ibuf [dreg:s7], $0x2FFFF;
	_ =	strace $0x9FFFFFFF  }
0xc4: {  	(tm) =	ssettm $0x7FFFFFFF  }
0xc5: {  	_ =	shalt  }
tec
execute0_lowered:
.L_overlay_start_1:
0x0: {  	(tag) =	ssettag $0x1  }
0x1: {  	s1 =	rddreg [dreg:$0x0]  }
0x2: {  	s0 =	srdreg.scid;
	s3 =	rddreg [dreg:$0x2]  }
0x3: {  	s6 =	stileid.u32;
	s4 =	rddreg [dreg:$0x3]  }
0x4: {  	s5 =	simm.s32 $0x0;
	s16 =	simm.s32 $0x118F0;
	s17 =	simm.s32 $0x6  }
0x5: {  	s18 =	simm.s32 $0x1B8F0;
	s19 =	simm.s32 $0x118A0;
	s20 =	simm.s32 $0xA280  }
0x6: {  	s22 =	simm.s32 $0x50;
	s23 =	simm.s32 $0xF0A0;
	s24 =	simm.s32 $0x104A0  }
0x7: {  	s28 =	simm.s32 $0x2;
	s29 =	simm.s32 $0x4;
	s30 =	simm.s32 $0x5  }
0x8: {  	s31 =	simm.s32 $0xF050;
	s0 =	sand.u32 $0x1, s0;
	s9 =	smul.u32 $0xA000, s6  }
0x9: {  	[smem:$0x7FF] =	sst s5;
	s11 =	smul.u32 $0x280, s6;
	s7 =	sadd.s32 $0x29000, s1  }
0xa: {  	s25 =	sadd.s32 $0x2A400, s1;
	s2 =	sshll.u32 s0, $0x4;
	s10 =	smul.u32 $0xA0000, s0  }
0xb: {  	_ =	strace $0x80000047;
	s12 =	smul.u32 $0x2800, s0;
	[dreg:$0x5] =	wrdreg s7  }
0xc: {  	[dreg:$0x6] =	wrdreg s25;
	s0 =	ssub.s32 $0x2, s0;
	s25 =	simm.s32 $0x1  }
0xd: {  	s2 =	sor.u32 s6, s2;
	s6 =	sadd.s32 $0x15600, s1;
	s26 =	sshrl.u32 s0, $0x1  }
0xe: {  	s2 =	smul.u32 $0x4E2, s2;
	s10 =	sadd.s32 s9, s10;
	s12 =	sadd.s32 s11, s12  }
0xf: {  	s0 =	ssub.s32 s0, s26;
	s9 =	sadd.s32 s9, s3;
	s26 =	simm.s32 $0x3  }
0x10: {  	s10 =	sshrl.u32 s10, $0x3;
	s12 =	sshrl.u32 s12, $0x3;
	s15 =	smax.u32 s0, $0x1  }
0x11: {  	s2 =	sadd.s32 s2, s1;
	s13 =	sadd.s32 s10, s1;
	s1 =	sadd.s32 s12, s1  }
0x12: {  	s10 =	sadd.s32 s11, s4;
	s11 =	sadd.s32 $0xB800, s2;
	s12 =	sadd.s32 $0x1A00, s2  }
0x13: {  	s13 =	sadd.s32 $0x2B000, s13;
	s14 =	sadd.s32 $0x2A600, s1;
	s1 =	simm.s32 $0x0  }
.LBB2_1:
0x14: {  	s0 =	rddreg [dreg:$0x5]  }
0x15: {  	[tilespmem:s16], [sflag:$0x6] =	stream.linear.gather [hbm4b:s0+s5], $0xA000, $0x38;
	[tilespmem:$0x1BB70] =	vst v63  }
0x16: {  	_ =	swait.ge [sflag:s17], $0xA000  }
0x17: {  	[sflag:s17] =	ssyncset.done $0x0  }
0x18: {  	[sflag:s17] =	ssyncadd.s32 $0xFFFF6000  }
0x19: {  	s7 =	rddreg [dreg:$0x1]  }
0x1a: {  	[tilespmem:s18], [sflag:$0x6] =	stream.linear.gather [hbm4b:s7+s5], $0x280, $0x38;
	[tilespmem:$0x1BB70] =	vst v63  }
0x1b: {  	_ =	swait.ge [sflag:s17], $0x280  }
0x1c: {  	[sflag:s17] =	ssyncset.done $0x0  }
0x1d: {  	[sflag:s17] =	ssyncadd.s32 $0xFFFFFD80  }
0x1e: {  	[spmem:s9] =	stream.linear.scatter [tilespmem:s16], [sflag:$0x6], $0xA000, $0x38;
	[tilespmem:$0x1BB70] =	vst v63  }
0x1f: {  	_ =	swait.ge [sflag:s17], $0xA000  }
0x20: {  	[sflag:s17] =	ssyncset.done $0x0  }
0x21: {  	[sflag:s17] =	ssyncadd.s32 $0xFFFF6000  }
0x22: {  	[spmem:s10] =	stream.linear.scatter [tilespmem:s18], [sflag:$0x6], $0x280, $0x38;
	[tilespmem:$0x1BB70] =	vst v63  }
0x23: {  	_ =	swait.ge [sflag:s17], $0x280  }
0x24: {  	[sflag:s17] =	ssyncset.done $0x0  }
0x25: {  	s8 =	rddreg [dreg:$0x6];
	[sflag:s17] =	ssyncadd.s32 $0xFFFFFD80  }
0x26: {  	[tilespmem:s19], [sflag:$0x6] =	stream.linear.gather [hbm4b:s8+s5], $0x50, $0x38;
	[tilespmem:$0x1BB70] =	vst v63  }
0x27: {  	_ =	swait.ge [sflag:s17], $0x50  }
0x28: {  	[sflag:s17] =	ssyncset.done $0x0  }
0x29: {  	[sflag:s17] =	ssyncadd.s32 $0xFFFFFFB0  }
0x2a: {  	[tilespmem:s20], [sflag:$0x6] =	stream.linear.gather [hbm4b:s11+s5], $0x2710, $0x38;
	[tilespmem:$0x1BB70] =	vst v63  }
0x2b: {  	_ =	swait.ge [sflag:s17], $0x2710  }
0x2c: {  	[sflag:s17] =	ssyncset.done $0x0  }
0x2d: {  	s21 =	simm.s32 $0xC990;
	[sflag:s17] =	ssyncadd.s32 $0xFFFFD8F0  }
0x2e: {  	[tilespmem:s21], [sflag:$0x6] =	stream.linear.gather [hbm4b:s12+s5], $0x2710, $0x38;
	[tilespmem:$0x1BB70] =	vst v63  }
0x2f: {  	_ =	swait.ge [sflag:s17], $0x2710  }
0x30: {  	[sflag:s17] =	ssyncset.done $0x0  }
0x31: {  	[sflag:s17] =	ssyncadd.s32 $0xFFFFD8F0  }
0x32: {  	[tilespmem:s23], [sflag:$0x1] =	stream.indirect.gather [hbm4b:s6+s22], $0x40, s20, s22, $0xb8;
	[tilespmem:$0x1BB70] =	vst v63  }
0x33: {  	s2 =	simm.s32 $0xA2D0;
	[bflag:$0x0] =	sbarrier.arrive $0xFFFF  }
0x34: {  	[tilespmem:s24], [sflag:$0x2] =	stream.indirect.gather [hbm4b:s6+s22], $0x40, s2, s22, $0xb8;
	[tilespmem:$0x1BB70] =	vst v63  }
0x35: {  	_ =	swait.ge [sflag:s25], $0x1400  }
0x36: {  	[sflag:s25] =	ssyncset.done $0x0  }
0x37: {  	s7 =	simm.s32 $0xC990;
	[sflag:s25] =	ssyncadd.s32 $0xFFFFEC00  }
0x38: {  	[spmem:s3] =	stream.indirect.scatter.add.f32 [tilespmem:s23], [sflag:$0x3], $0x40, s7, s22, $0xb8;
	[tilespmem:$0x1BB70] =	vst v63  }
0x39: {  	_ = 	snop  }
0x3a: {  	[spmem:s4] =	stream.indirect.scatter.add.f32 [tilespmem:s19], [sflag:$0x5], $0x1, s7, s22, $0xb8;
	[tilespmem:$0x1BB70] =	vst v63  }
0x3b: {  	_ =	swait.ge [sflag:s26], $0x1400  }
0x3c: {  	[sflag:s26] =	ssyncset.done $0x0  }
0x3d: {  	s8 =	simm.s32 $0xA320;
	[sflag:s26] =	ssyncadd.s32 $0xFFFFEC00  }
0x3e: {  	[tilespmem:s23], [sflag:$0x1] =	stream.indirect.gather [hbm4b:s6+s22], $0x40, s8, s22, $0xb8;
	[tilespmem:$0x1BB70] =	vst v63  }
0x3f: {  	_ =	swait.ge [sflag:s28], $0x1400  }
0x40: {  	[sflag:s28] =	ssyncset.done $0x0  }
0x41: {  	s21 =	simm.s32 $0xC9E0;
	[sflag:s28] =	ssyncadd.s32 $0xFFFFEC00  }
0x42: {  	[spmem:s3] =	stream.indirect.scatter.add.f32 [tilespmem:s24], [sflag:$0x4], $0x40, s21, s22, $0xb8;
	[tilespmem:$0x1BB70] =	vst v63  }
0x43: {  	_ = 	snop  }
0x44: {  	[spmem:s4] =	stream.indirect.scatter.add.f32 [tilespmem:s19], [sflag:$0x5], $0x1, s21, s22, $0xb8;
	[tilespmem:$0x1BB70] =	vst v63  }
0x45: {  	_ =	swait.ge [sflag:s29], $0x1400  }
0x46: {  	[sflag:s29] =	ssyncset.done $0x0  }
0x47: {  	[sflag:s29] =	ssyncadd.s32 $0xFFFFEC00  }
0x48: {  	_ =	swait.ge [sflag:s30], $0x50  }
0x49: {  	[sflag:s30] =	ssyncset.done $0x0  }
0x4a: {  	[sflag:s30] =	ssyncadd.s32 $0xFFFFFFB0  }
0x4b: {  	_ =	swait.ge [sflag:s30], $0x50  }
0x4c: {  	s0 =	simm.s32 $0xA0;
	s2 =	simm.s32 $0x500;
	[sflag:s30] =	ssyncset.done $0x0  }
.LBB2_2:
0x4d: {  	s21 =	sadd.s32 $0xA2D0, s0  }
0x4e: {  	[sflag:s30] =	ssyncadd.s32 $0xFFFFFFB0;
	s7 =	smov.u32 s2;
	s8 =	sadd.s32 $0x280, s2  }
0x4f: {  	[tilespmem:s24], [sflag:$0x2] =	stream.indirect.gather [hbm4b:s6+s22], $0x40, s21, s22, $0xb8;
	[tilespmem:$0x1BB70] =	vst v63  }
0x50: {  	p0 =	sne.s32 s2, $0x9880;
	_ =	swait.ge [sflag:s25], $0x1400  }
0x51: {  	[sflag:s25] =	ssyncset.done $0x0  }
0x52: {  	s2 =	sadd.s32 $0xC990, s0;
	[sflag:s25] =	ssyncadd.s32 $0xFFFFEC00  }
0x53: {  	[spmem:s3] =	stream.indirect.scatter.add.f32 [tilespmem:s23], [sflag:$0x3], $0x40, s2, s22, $0xb8;
	[tilespmem:$0x1BB70] =	vst v63  }
0x54: {  	_ = 	snop  }
0x55: {  	[spmem:s4] =	stream.indirect.scatter.add.f32 [tilespmem:s19], [sflag:$0x5], $0x1, s2, s22, $0xb8;
	[tilespmem:$0x1BB70] =	vst v63  }
0x56: {  	_ =	swait.ge [sflag:s26], $0x1400  }
0x57: {  	[sflag:s26] =	ssyncset.done $0x0  }
0x58: {  	s2 =	sadd.s32 $0xA320, s0;
	[sflag:s26] =	ssyncadd.s32 $0xFFFFEC00  }
0x59: {  	[tilespmem:s23], [sflag:$0x1] =	stream.indirect.gather [hbm4b:s6+s22], $0x40, s2, s22, $0xb8;
	[tilespmem:$0x1BB70] =	vst v63  }
0x5a: {  	_ =	swait.ge [sflag:s28], $0x1400  }
0x5b: {  	[sflag:s28] =	ssyncset.done $0x0  }
0x5c: {  	s0 =	sadd.s32 $0xC9E0, s0;
	[sflag:s28] =	ssyncadd.s32 $0xFFFFEC00  }
0x5d: {  	[spmem:s3] =	stream.indirect.scatter.add.f32 [tilespmem:s24], [sflag:$0x4], $0x40, s0, s22, $0xb8;
	[tilespmem:$0x1BB70] =	vst v63  }
0x5e: {  	_ = 	snop  }
0x5f: {  	[spmem:s4] =	stream.indirect.scatter.add.f32 [tilespmem:s19], [sflag:$0x5], $0x1, s0, s22, $0xb8;
	[tilespmem:$0x1BB70] =	vst v63  }
0x60: {  	_ =	swait.ge [sflag:s29], $0x1400  }
0x61: {  	[sflag:s29] =	ssyncset.done $0x0  }
0x62: {  	[sflag:s29] =	ssyncadd.s32 $0xFFFFEC00  }
.Ltmp0:
0x63: {  	_ =	swait.ge [sflag:s30], $0x50;
	(pc) =	sbr.rel @p0 .LBB2_2-.Ltmp0, $4  }
0x64: {  	[sflag:s30] =	ssyncset.done $0x0  }
0x65: {  	[sflag:s30] =	ssyncadd.s32 $0xFFFFFFB0  }
0x66: {  	_ =	swait.ge [sflag:s30], $0x50  }
0x67: {  	s2 =	smov.u32 s8;
	s0 =	sshra.s32 s7, $0x2;
	[sflag:s30] =	ssyncset.done $0x0  }
0x68: {  	s2 =	sadd.s32 $0xA2D0, s0;
	[sflag:s30] =	ssyncadd.s32 $0xFFFFFFB0  }
0x69: {  	[tilespmem:s24], [sflag:$0x2] =	stream.indirect.gather [hbm4b:s6+s22], $0x40, s2, s22, $0xb8;
	[tilespmem:$0x1BB70] =	vst v63  }
0x6a: {  	_ =	swait.ge [sflag:s25], $0x1400  }
0x6b: {  	[sflag:s25] =	ssyncset.done $0x0  }
0x6c: {  	s7 =	sadd.s32 $0xC990, s0;
	[sflag:s25] =	ssyncadd.s32 $0xFFFFEC00  }
0x6d: {  	[spmem:s3] =	stream.indirect.scatter.add.f32 [tilespmem:s23], [sflag:$0x3], $0x40, s7, s22, $0xb8;
	[tilespmem:$0x1BB70] =	vst v63  }
0x6e: {  	_ = 	snop  }
0x6f: {  	[spmem:s4] =	stream.indirect.scatter.add.f32 [tilespmem:s19], [sflag:$0x5], $0x1, s7, s22, $0xb8;
	[tilespmem:$0x1BB70] =	vst v63  }
0x70: {  	_ =	swait.ge [sflag:s26], $0x1400  }
0x71: {  	[sflag:s26] =	ssyncset.done $0x0  }
0x72: {  	s8 =	sadd.s32 $0xA320, s0;
	[sflag:s26] =	ssyncadd.s32 $0xFFFFEC00  }
0x73: {  	[tilespmem:s23], [sflag:$0x1] =	stream.indirect.gather [hbm4b:s6+s22], $0x40, s8, s22, $0xb8;
	[tilespmem:$0x1BB70] =	vst v63  }
0x74: {  	_ =	swait.ge [sflag:s28], $0x1400  }
0x75: {  	[sflag:s28] =	ssyncset.done $0x0  }
0x76: {  	s21 =	sadd.s32 $0xC9E0, s0;
	[sflag:s28] =	ssyncadd.s32 $0xFFFFEC00  }
0x77: {  	[spmem:s3] =	stream.indirect.scatter.add.f32 [tilespmem:s24], [sflag:$0x4], $0x40, s21, s22, $0xb8;
	[tilespmem:$0x1BB70] =	vst v63  }
0x78: {  	_ = 	snop  }
0x79: {  	[spmem:s4] =	stream.indirect.scatter.add.f32 [tilespmem:s19], [sflag:$0x5], $0x1, s21, s22, $0xb8;
	[tilespmem:$0x1BB70] =	vst v63  }
0x7a: {  	_ =	swait.ge [sflag:s29], $0x1400  }
0x7b: {  	[sflag:s29] =	ssyncset.done $0x0  }
0x7c: {  	[sflag:s29] =	ssyncadd.s32 $0xFFFFEC00  }
0x7d: {  	_ =	swait.ge [sflag:s30], $0x50  }
0x7e: {  	[sflag:s30] =	ssyncset.done $0x0  }
0x7f: {  	[sflag:s30] =	ssyncadd.s32 $0xFFFFFFB0  }
0x80: {  	_ =	swait.ge [sflag:s30], $0x50  }
0x81: {  	[sflag:s30] =	ssyncset.done $0x0  }
0x82: {  	[sflag:s30] =	ssyncadd.s32 $0xFFFFFFB0  }
0x83: {  	_ =	swait.ge [sflag:s25], $0x1400  }
0x84: {  	[sflag:s25] =	ssyncset.done $0x0  }
0x85: {  	[sflag:s25] =	ssyncadd.s32 $0xFFFFEC00  }
0x86: {  	[spmem:s3] =	stream.indirect.scatter.add.f32 [tilespmem:s23], [sflag:$0x6], $0x40, s31, s22, $0xb8;
	[tilespmem:$0x1BB70] =	vst v63  }
0x87: {  	_ =	swait.ge [sflag:s17], $0x1400  }
0x88: {  	[sflag:s17] =	ssyncset.done $0x0  }
0x89: {  	[sflag:s17] =	ssyncadd.s32 $0xFFFFEC00  }
0x8a: {  	[spmem:s4] =	stream.indirect.scatter.add.f32 [tilespmem:s19], [sflag:$0x6], $0x1, s31, s22, $0xb8;
	[tilespmem:$0x1BB70] =	vst v63  }
0x8b: {  	_ =	swait.ge [sflag:s17], $0x50  }
0x8c: {  	[sflag:s17] =	ssyncset.done $0x0  }
0x8d: {  	[sflag:s17] =	ssyncadd.s32 $0xFFFFFFB0  }
0x8e: {  	[bflag:$0x0] =	sbarrier.arrive $0xFFFF  }
0x8f: {  	[tilespmem:s16], [sflag:$0x6] =	stream.linear.gather [spmem:s9], $0xA000, $0x38;
	[tilespmem:$0x1BB70] =	vst v63  }
0x90: {  	_ =	swait.ge [sflag:s17], $0xA000  }
0x91: {  	[sflag:s17] =	ssyncset.done $0x0  }
0x92: {  	[sflag:s17] =	ssyncadd.s32 $0xFFFF6000  }
0x93: {  	[tilespmem:s18], [sflag:$0x6] =	stream.linear.gather [spmem:s10], $0x280, $0x38;
	[tilespmem:$0x1BB70] =	vst v63  }
0x94: {  	_ =	swait.ge [sflag:s17], $0x280  }
0x95: {  	[sflag:s17] =	ssyncset.done $0x0  }
0x96: {  	[sflag:s17] =	ssyncadd.s32 $0xFFFFFD80  }
0x97: {  	[hbm4b:s13+s5] =	stream.linear.scatter [tilespmem:s16], [sflag:$0x6], $0xA000, $0x38;
	[tilespmem:$0x1BB70] =	vst v63  }
0x98: {  	s1 =	sadd.s32 $0x1, s1;
	_ =	swait.ge [sflag:s17], $0xA000  }
0x99: {  	p0 =	sne.s32 s1, s15;
	[sflag:s17] =	ssyncset.done $0x0  }
.Ltmp1:
0x9a: {  	[sflag:s17] =	ssyncadd.s32 $0xFFFF6000;
	(pc) =	sbr.rel @p0 .LBB2_1-.Ltmp1, $4  }
0x9b: {  	[hbm4b:s14+s5] =	stream.linear.scatter [tilespmem:s18], [sflag:$0x6], $0x280, $0x38;
	[tilespmem:$0x1BB70] =	vst v63  }
0x9c: {  	_ =	swait.ge [sflag:s17], $0x280  }
0x9d: {  	[sflag:s17] =	ssyncset.done $0x0  }
0x9e: {  	[sflag:s17] =	ssyncadd.s32 $0xFFFFFD80  }
0x9f: {  	_ =	sfence.sel $0x180000  }
0xa0: {  	[bflag:$0x0] =	sbarrier.arrive $0xFFFF  }
0xa1: {  	_ =	strace $0x90000047  }
0xa2: {  	s0 =	stileid.u32;
	[bflag:$0x2] =	sbarrier.arrive $0xFFFF  }
0xa3: {  	p0 =	sne.s32 s0, $0x0;
	s0 =	rddreg [dreg:$0x4]  }
0xa4: {  	s0 =	sadd.s32 @!p0 $0x100000, s0  }
0xa5: {  	[sflag:s0] =	ssyncadd.tile.s32 @!p0 $0x1;
	_ =	shalt  }
.Lfunc_end2:
_tile_overlayer_lowered:
.L_overlay_start_2:
0xa6: {  	(tag) =	ssettag $0x2  }
0xa7: {  	s0 =	rddreg [dreg:$0x0];
	s2 =	stileid.u32  }
0xa8: {  	s1 =	rddreg [dreg:$0x1];
	p0 =	sne.s32 s2, $0x0  }
0xa9: {  	s3 =	rddreg [dreg:$0x2];
	[bflag:$0x3] =	sbarrier.arrive $0xFFFF;
	s2 =	simm.s32 @!p0 $0x1C06  }
0xaa: {  	[timem:s3], [sflag:s2] =	dma.local @!p0 [hbm:s0], s1  }
0xab: {  	s0 =	simm.s32 @!p0 $0x6  }
0xac: {  	_ =	swait.ge @!p0 [sflag:s0], s1  }
0xad: {  	s1 =	ssub.s32 @!p0 $0x0, s1;
	[sflag:s0] =	ssyncset.done @!p0 $0x0  }
0xae: {  	[sflag:s0] =	ssyncadd.s32 @!p0 s1  }
0xaf: {  	[bflag:$0x3] =	sbarrier.arrive $0xFFFF  }
0xb0: {  	_ =	shalt  }

</sc_bundles>
